<compile_context>
chip_gen: v7x
topology: tpu7x:2x2x1
jax: 0.10.2.dev20260603
libtpu: 0.0.44.dev20260713+nightly
codegen_flags: <defaults>
</compile_context>

<pallas_src>
import functools

import jax
import jax.numpy as jnp
from jax import lax
from jax.experimental import pallas as pl
from jax.experimental.pallas import tpu as pltpu
from jax.experimental.pallas import tpu_sc as plsc

Q = 4096
D = 128
N_REAL = 100000
CT = 2048
NCT = 49
NC_PAD = NCT * CT
NG = NC_PAD // 128
K_SEL = 50
W1 = K_SEL * 128
NSG = W1 // 16
W2 = K_SEL * 16

QB1 = 1024
QB2 = 512
QB4 = 128
QB6 = 512

NEG = float("-inf")
IBIG = 0x7FFFFFFF



def _k1_body(q_ref, c_ref, s_ref, m_ref):
    s = lax.dot_general(q_ref[...], c_ref[...], (((1,), (1,)), ((), ())),
                        preferred_element_type=jnp.float32)
    j = pl.program_id(1)

    @pl.when(j == NCT - 1)
    def _():
        col = jax.lax.broadcasted_iota(jnp.int32, s.shape, 1) + (NCT - 1) * CT
        sm = jnp.where(col < N_REAL, s, NEG)
        s3 = sm.reshape(sm.shape[0], CT // 128, 128)
        s_ref[...] = s3
        m_ref[...] = jnp.max(s3, axis=2)[None]

    @pl.when(j != NCT - 1)
    def _():
        s3 = s.reshape(s.shape[0], CT // 128, 128)
        s_ref[...] = s3
        m_ref[...] = jnp.max(s3, axis=2)[None]


def _topk_ids(s, k):
    b, w = s.shape
    lane = lax.broadcasted_iota(jnp.int32, (b, w), 1)
    klane = lax.broadcasted_iota(jnp.int32, (b, k), 1)

    def body(i, carry):
        s_c, ids = carry
        m = jnp.max(s_c, axis=1, keepdims=True)
        idx = jnp.min(jnp.where(s_c == m, lane, jnp.int32(w)), axis=1,
                      keepdims=True)
        ids = jnp.where(klane == i, idx, ids)
        s_c = jnp.where(lane == idx, NEG, s_c)
        return s_c, ids

    _, ids = lax.fori_loop(0, k, body, (s, jnp.zeros((b, k), jnp.int32)))
    return ids


def _sort_ids_asc(ids, k):
    b = ids.shape[0]
    klane = lax.broadcasted_iota(jnp.int32, (b, k), 1)

    def body(i, carry):
        rem, out = carry
        mn = jnp.min(rem, axis=1, keepdims=True)
        out = jnp.where(klane == i, mn, out)
        rem = jnp.where(rem == mn, IBIG, rem)
        return rem, out

    _, out = lax.fori_loop(0, k, body, (ids, jnp.zeros((b, k), jnp.int32)))
    return out


def _k2_body(m_ref, gid_ref, flat_ref):
    m = m_ref[...]
    ids = _topk_ids(m, K_SEL)
    gid = _sort_ids_asc(ids, K_SEL)
    gid_ref[...] = gid
    qrow = (lax.broadcasted_iota(jnp.int32, gid.shape, 0)
            + pl.program_id(0) * m.shape[0])
    flat_ref[...] = qrow * NG + gid


def _k4_body(v_ref, gid_ref, idx_ref, gbase_ref):
    v = v_ref[...]
    b = v.shape[0]
    sub = jnp.max(v.reshape(b, NSG, 16), axis=2)
    sids = _topk_ids(sub, K_SEL)
    sgid = _sort_ids_asc(sids, K_SEL)
    gid = gid_ref[...]
    j8 = sgid // 8
    acc = jnp.zeros_like(sgid)
    for w in range(K_SEL):
        acc = acc + jnp.where(j8 == w, gid[:, w:w + 1], 0)
    gbase_ref[...] = acc * 128 + (sgid % 8) * 16
    sixteen = lax.broadcasted_iota(jnp.int32, (b, K_SEL, 16), 2)
    idx_ref[...] = (sgid[:, :, None] * 16 + sixteen).reshape(b, W2)


def _k6_body(v_ref, gbase_ref, vals_ref, ids_ref):
    v = v_ref[...]
    b = v.shape[0]
    gbase = gbase_ref[...]
    sixteen = lax.broadcasted_iota(jnp.int32, (b, K_SEL, 16), 2)
    gidx = (gbase[:, :, None] + sixteen).reshape(b, W2)
    klane = lax.broadcasted_iota(jnp.int32, (b, K_SEL), 1)

    def body(i, carry):
        vc, vals, ids = carry
        m = jnp.max(vc, axis=1, keepdims=True)
        mi = jnp.min(jnp.where(vc == m, gidx, IBIG), axis=1, keepdims=True)
        vals = jnp.where(klane == i, m, vals)
        ids = jnp.where(klane == i, mi, ids)
        vc = jnp.where((vc == m) & (gidx == mi), NEG, vc)
        return vc, vals, ids

    _, vals, ids = lax.fori_loop(
        0, K_SEL, body,
        (v, jnp.zeros((b, K_SEL), jnp.float32), jnp.zeros((b, K_SEL), jnp.int32)))
    vals_ref[...] = vals
    ids_ref[...] = ids



@functools.lru_cache(maxsize=None)
def _make_sc_sub_gather():
    qb = Q // 32
    mesh = plsc.VectorSubcoreMesh(core_axis_name="c", subcore_axis_name="s")

    @functools.partial(
        pl.kernel,
        out_type=jax.ShapeDtypeStruct((Q * W2,), jnp.float32),
        mesh=mesh,
        scratch_types=[
            pltpu.VMEM((W1,), jnp.float32),
            pltpu.VMEM((W2,), jnp.int32),
            pltpu.VMEM((W2,), jnp.float32),
        ],
        compiler_params=pltpu.CompilerParams(needs_layout_passes=False),
    )
    def gath(v1_hbm, idx_hbm, out_hbm, vrow, idxv, outv):
        wid = lax.axis_index("s") * 2 + lax.axis_index("c")

        def qbody(t, carry):
            q = wid * qb + t
            pltpu.sync_copy(v1_hbm.at[pl.ds(q * W1, W1)], vrow)
            pltpu.sync_copy(idx_hbm.at[pl.ds(q * W2, W2)], idxv)

            def jbody(j, c):
                iv = idxv[pl.ds(j * 16, 16)]
                g = plsc.load_gather(vrow, [iv])
                outv[pl.ds(j * 16, 16)] = g
                return c

            lax.fori_loop(0, K_SEL, jbody, 0)
            pltpu.sync_copy(outv, out_hbm.at[pl.ds(q * W2, W2)])
            return carry

        lax.fori_loop(0, qb, qbody, 0)

    return gath


@functools.lru_cache(maxsize=None)
def _make_sc_gather(n_rows, row_w):
    rows_per_w = n_rows // 32
    chunks = rows_per_w // 128
    mesh = plsc.VectorSubcoreMesh(core_axis_name="c", subcore_axis_name="s")

    @functools.partial(
        pl.kernel,
        out_type=jax.ShapeDtypeStruct((n_rows, row_w), jnp.float32),
        mesh=mesh,
        scratch_types=[
            pltpu.VMEM((chunks, 128), jnp.int32),
            pltpu.VMEM((128, row_w), jnp.float32),
            pltpu.SemaphoreType.DMA,
        ],
    )
    def gath(table_hbm, idx_hbm, out_hbm, idx_v, rows_v, sem):
        wid = lax.axis_index("s") * 2 + lax.axis_index("c")
        pltpu.sync_copy(idx_hbm.at[wid], idx_v)

        def body(j, carry):
            pltpu.async_copy(table_hbm.at[idx_v.at[j]], rows_v, sem).wait()
            pltpu.sync_copy(rows_v,
                            out_hbm.at[pl.ds(wid * rows_per_w + j * 128, 128)])
            return carry

        lax.fori_loop(0, chunks, body, 0)

    return gath



def kernel(queries, candidates):
    cand_p = jnp.concatenate(
        [candidates, jnp.zeros((NC_PAD - N_REAL, D), jnp.float32)], axis=0)

    scores, gmax = pl.pallas_call(
        _k1_body,
        grid=(Q // QB1, NCT),
        in_specs=[pl.BlockSpec((QB1, D), lambda i, j: (i, 0)),
                  pl.BlockSpec((CT, D), lambda i, j: (j, 0))],
        out_specs=[pl.BlockSpec((QB1, CT // 128, 128), lambda i, j: (i, j, 0)),
                   pl.BlockSpec((1, QB1, CT // 128), lambda i, j: (j, i, 0))],
        out_shape=[jax.ShapeDtypeStruct((Q, NG, 128), jnp.float32),
                   jax.ShapeDtypeStruct((NCT, Q, CT // 128), jnp.float32)],
    )(queries, cand_p)
    gmax = gmax.transpose(1, 0, 2).reshape(Q, NG)

    gid, flat1 = pl.pallas_call(
        _k2_body,
        grid=(Q // QB2,),
        in_specs=[pl.BlockSpec((QB2, NG), lambda i: (i, 0))],
        out_specs=[pl.BlockSpec((QB2, K_SEL), lambda i: (i, 0)),
                   pl.BlockSpec((QB2, K_SEL), lambda i: (i, 0))],
        out_shape=[jax.ShapeDtypeStruct((Q, K_SEL), jnp.int32),
                   jax.ShapeDtypeStruct((Q, K_SEL), jnp.int32)],
    )(gmax)

    v1_flat = _make_sc_gather(Q * K_SEL, 128)(
        scores.reshape(Q * NG, 128),
        flat1.reshape(32, Q * K_SEL // (32 * 128), 128))
    v1 = v1_flat.reshape(Q, W1)

    idx800, gbase = pl.pallas_call(
        _k4_body,
        grid=(Q // QB4,),
        in_specs=[pl.BlockSpec((QB4, W1), lambda i: (i, 0)),
                  pl.BlockSpec((QB4, K_SEL), lambda i: (i, 0))],
        out_specs=[pl.BlockSpec((QB4, W2), lambda i: (i, 0)),
                   pl.BlockSpec((QB4, K_SEL), lambda i: (i, 0))],
        out_shape=[jax.ShapeDtypeStruct((Q, W2), jnp.int32),
                   jax.ShapeDtypeStruct((Q, K_SEL), jnp.int32)],
    )(v1, gid)

    v2 = _make_sc_sub_gather()(
        v1_flat.reshape(Q * W1), idx800.reshape(Q * W2)).reshape(Q, W2)

    vals, ids = pl.pallas_call(
        _k6_body,
        grid=(Q // QB6,),
        in_specs=[pl.BlockSpec((QB6, W2), lambda i: (i, 0)),
                  pl.BlockSpec((QB6, K_SEL), lambda i: (i, 0))],
        out_specs=[pl.BlockSpec((QB6, K_SEL), lambda i: (i, 0)),
                   pl.BlockSpec((QB6, K_SEL), lambda i: (i, 0))],
        out_shape=[jax.ShapeDtypeStruct((Q, K_SEL), jnp.float32),
                   jax.ShapeDtypeStruct((Q, K_SEL), jnp.int32)],
    )(v2, gbase)

    return vals, ids

# --- scband reference (transcript-rebuilt; emitter-appended) ---
"""Pipeline reference for scband-ndcg-87084756894039 (READ-ONLY COPY).

The authoritative reference and input builder live on the scoring server;
editing this copy changes nothing except your own understanding.
"""

import jax, jax.numpy as jnp
import numpy as np

K_TOP = 50

def setup_inputs(seed: int = 0) -> dict:
    key = jax.random.key(seed)
    kq, kc = jax.random.split(key)
    queries = jax.random.normal(kq, (4096, 128), dtype=jnp.float32)
    candidates = jax.random.normal(kc, (100000, 128), dtype=jnp.float32)
    return {"queries": queries, "candidates": candidates}

def reference(queries, candidates):
    # scores = queries @ candidates.T  (matmul against the candidate corpus)
    scores = jnp.matmul(queries, jnp.transpose(candidates, (1, 0)))
    # top-k retrieval: values and indices of the k highest-scoring candidates per query
    values, indices = jax.lax.top_k(scores, K_TOP)
    return (values, indices)

if __name__ == "__main__":
    import jax
    _d = setup_inputs()
    print(jax.jit(kernel)(*tuple(_d.values())))

</pallas_src>

<mosaic_0001>
#map = affine_map<(d0, d1) -> (0)>
module attributes {stable_mosaic.version = 14 : i64} {
  func.func @gath(%arg0: i32, %arg1: i32, %arg2: memref<26214400xf32, #tpu.memory_space<hbm>>, %arg3: memref<3276800xi32, #tpu.memory_space<hbm>>, %arg4: memref<3276800xf32, #tpu.memory_space<hbm>>, %arg5: memref<6400xf32, #tpu.memory_space<vmem>>, %arg6: memref<800xi32, #tpu.memory_space<vmem>>, %arg7: memref<800xf32, #tpu.memory_space<vmem>>) attributes {dimension_semantics = [#tpu.dimension_semantics<core_parallel>, #tpu.dimension_semantics<subcore_parallel>], iteration_bounds = array<i64: 2, 16>, scalar_prefetch = 0 : i64, scratch_operands = 3 : i64, tpu.core_type = #tpu.core_type<sc_vector_subcore>, window_params = [{transform_indices = #map}, {transform_indices = #map}, {transform_indices = #map}]} {
    %mul3A = arith.constant 2 : i32
    %mul3A_0 = arith.muli %arg1, %mul3A : i32
    %add3A = arith.addi %mul3A_0, %arg0 : i32
    %scan3A = arith.constant 0 : i32
    %scan3A_1 = arith.constant 0 : i32
    %scan3A_2 = arith.constant 128 : i32
    %scan3A_3 = arith.addi %scan3A_1, %scan3A_2 : i32
    %scan3A_4 = arith.constant 1 : i32
    scf.for %scan3A_6 = %scan3A_1 to %scan3A_3 step %scan3A_4  : i32 {
      %mul3A_7 = arith.constant 128 : i32
      %mul3A_8 = arith.muli %add3A, %mul3A_7 : i32
      %add3A_9 = arith.addi %mul3A_8, %scan3A_6 : i32
      %mul3A_10 = arith.constant 6400 : i32
      %mul3A_11 = arith.muli %add3A_9, %mul3A_10 : i32
      "tpu.region"() ({
        %run_scoped3A = tpu.sem_alloc : memref<!tpu.dma_semaphore, #tpu.memory_space<semaphore_mem>>
        %dma_start3A = tpu.memref_slice %arg2[%mul3A_11] : memref<26214400xf32, #tpu.memory_space<hbm>> -> memref<6400xf32, #tpu.memory_space<hbm>>
        %dma_start3A_22 = tpu.memref_slice %arg2[%mul3A_11] : memref<26214400xf32, #tpu.memory_space<hbm>> -> memref<6400xf32, #tpu.memory_space<hbm>>
        tpu.enqueue_dma source(%dma_start3A_22 : memref<6400xf32, #tpu.memory_space<hbm>>) target(%arg5 : memref<6400xf32, #tpu.memory_space<vmem>>) target_semaphore(%run_scoped3A : memref<!tpu.dma_semaphore, #tpu.memory_space<semaphore_mem>>)
        %dma_wait3A = tpu.memref_slice %arg2[%mul3A_11] : memref<26214400xf32, #tpu.memory_space<hbm>> -> memref<6400xf32, #tpu.memory_space<hbm>>
        %dma_wait3A_23 = tpu.memref_slice %arg2[%mul3A_11] : memref<26214400xf32, #tpu.memory_space<hbm>> -> memref<6400xf32, #tpu.memory_space<hbm>>
        tpu.wait_dma2 semaphore(%run_scoped3A : memref<!tpu.dma_semaphore, #tpu.memory_space<semaphore_mem>>) src(%dma_wait3A_23 : memref<6400xf32, #tpu.memory_space<hbm>>) dst(%arg5 : memref<6400xf32, #tpu.memory_space<vmem>>)
        tpu.yield
      }) : () -> ()
      %mul3A_12 = arith.constant 800 : i32
      %mul3A_13 = arith.muli %add3A_9, %mul3A_12 : i32
      "tpu.region"() ({
        %run_scoped3A = tpu.sem_alloc : memref<!tpu.dma_semaphore, #tpu.memory_space<semaphore_mem>>
        %dma_start3A = tpu.memref_slice %arg3[%mul3A_13] : memref<3276800xi32, #tpu.memory_space<hbm>> -> memref<800xi32, #tpu.memory_space<hbm>>
        %dma_start3A_22 = tpu.memref_slice %arg3[%mul3A_13] : memref<3276800xi32, #tpu.memory_space<hbm>> -> memref<800xi32, #tpu.memory_space<hbm>>
        tpu.enqueue_dma source(%dma_start3A_22 : memref<800xi32, #tpu.memory_space<hbm>>) target(%arg6 : memref<800xi32, #tpu.memory_space<vmem>>) target_semaphore(%run_scoped3A : memref<!tpu.dma_semaphore, #tpu.memory_space<semaphore_mem>>)
        %dma_wait3A = tpu.memref_slice %arg3[%mul3A_13] : memref<3276800xi32, #tpu.memory_space<hbm>> -> memref<800xi32, #tpu.memory_space<hbm>>
        %dma_wait3A_23 = tpu.memref_slice %arg3[%mul3A_13] : memref<3276800xi32, #tpu.memory_space<hbm>> -> memref<800xi32, #tpu.memory_space<hbm>>
        tpu.wait_dma2 semaphore(%run_scoped3A : memref<!tpu.dma_semaphore, #tpu.memory_space<semaphore_mem>>) src(%dma_wait3A_23 : memref<800xi32, #tpu.memory_space<hbm>>) dst(%arg6 : memref<800xi32, #tpu.memory_space<vmem>>)
        tpu.yield
      }) : () -> ()
      %scan3A_14 = arith.constant 0 : i32
      %scan3A_15 = arith.constant 0 : i32
      %scan3A_16 = arith.constant 50 : i32
      %scan3A_17 = arith.addi %scan3A_15, %scan3A_16 : i32
      %scan3A_18 = arith.constant 1 : i32
      scf.for %scan3A_22 = %scan3A_15 to %scan3A_17 step %scan3A_18  : i32 {
        %mul3A_23 = arith.constant 16 : i32
        %mul3A_24 = arith.muli %scan3A_22, %mul3A_23 : i32
        %get3A = arith.index_cast %mul3A_24 : i32 to index
        %get3A_25 = tpu.vector_load %arg6[%get3A] {strides = array<i32>} : memref<800xi32, #tpu.memory_space<vmem>>, vector<16xi32>,
        %gather3A = tpu.vector_load_idx %arg5[%get3A_25] : memref<6400xf32, #tpu.memory_space<vmem>>[vector<16xi32>], vector<16xf32>,
        %mul3A_26 = arith.constant 16 : i32
        %mul3A_27 = arith.muli %scan3A_22, %mul3A_26 : i32
        %swap3A = arith.index_cast %mul3A_27 : i32 to index
        %swap3A_28 = tpu.vector_load %arg7[%swap3A] {strides = array<i32>} : memref<800xf32, #tpu.memory_space<vmem>>, vector<16xf32>,
        tpu.vector_store %arg7[%swap3A], %gather3A {strides = array<i32>} : memref<800xf32, #tpu.memory_space<vmem>>, vector<16xf32>,
      }
      %scan3A_19 = arith.constant 50 : i32
      %mul3A_20 = arith.constant 800 : i32
      %mul3A_21 = arith.muli %add3A_9, %mul3A_20 : i32
      "tpu.region"() ({
        %run_scoped3A = tpu.sem_alloc : memref<!tpu.dma_semaphore, #tpu.memory_space<semaphore_mem>>
        %dma_start3A = tpu.memref_slice %arg4[%mul3A_21] : memref<3276800xf32, #tpu.memory_space<hbm>> -> memref<800xf32, #tpu.memory_space<hbm>>
        %dma_start3A_22 = tpu.memref_slice %arg4[%mul3A_21] : memref<3276800xf32, #tpu.memory_space<hbm>> -> memref<800xf32, #tpu.memory_space<hbm>>
        tpu.enqueue_dma source(%arg7 : memref<800xf32, #tpu.memory_space<vmem>>) target(%dma_start3A_22 : memref<800xf32, #tpu.memory_space<hbm>>) target_semaphore(%run_scoped3A : memref<!tpu.dma_semaphore, #tpu.memory_space<semaphore_mem>>)
        %dma_wait3A = tpu.memref_slice %arg4[%mul3A_21] : memref<3276800xf32, #tpu.memory_space<hbm>> -> memref<800xf32, #tpu.memory_space<hbm>>
        %dma_wait3A_23 = tpu.memref_slice %arg4[%mul3A_21] : memref<3276800xf32, #tpu.memory_space<hbm>> -> memref<800xf32, #tpu.memory_space<hbm>>
        tpu.wait_dma2 semaphore(%run_scoped3A : memref<!tpu.dma_semaphore, #tpu.memory_space<semaphore_mem>>) src(%arg7 : memref<800xf32, #tpu.memory_space<vmem>>) dst(%dma_wait3A_23 : memref<800xf32, #tpu.memory_space<hbm>>)
        tpu.yield
      }) : () -> ()
    }
    %scan3A_5 = arith.constant 128 : i32
    return
  }
}

#map = affine_map<(d0, d1) -> (0, 0)>
#map1 = affine_map<(d0, d1) -> (0, 0, 0)>
module attributes {stable_mosaic.version = 14 : i64} {
  func.func @gath(%arg0: i32, %arg1: i32, %arg2: memref<3211264x128xf32, #tpu.memory_space<hbm>>, %arg3: memref<32x50x128xi32, #tpu.memory_space<hbm>>, %arg4: memref<204800x128xf32, #tpu.memory_space<hbm>>, %arg5: memref<50x128xi32, #tpu.memory_space<vmem>>, %arg6: memref<128x128xf32, #tpu.memory_space<vmem>>, %arg7: memref<!tpu.dma_semaphore, #tpu.memory_space<semaphore_mem>>) attributes {dimension_semantics = [#tpu.dimension_semantics<core_parallel>, #tpu.dimension_semantics<subcore_parallel>], iteration_bounds = array<i64: 2, 16>, scalar_prefetch = 0 : i64, scratch_operands = 3 : i64, tpu.core_type = #tpu.core_type<sc_vector_subcore>, window_params = [{transform_indices = #map}, {transform_indices = #map1}, {transform_indices = #map}]} {
    %mul3A = arith.constant 2 : i32
    %mul3A_0 = arith.muli %arg1, %mul3A : i32
    %add3A = arith.addi %mul3A_0, %arg0 : i32
    "tpu.region"() ({
      %run_scoped3A = tpu.sem_alloc : memref<!tpu.dma_semaphore, #tpu.memory_space<semaphore_mem>>
      %dma_start3A = arith.constant 0 : i32
      %dma_start3A_6 = arith.constant 0 : i32
      %dma_start3A_7 = tpu.memref_slice %arg3[%add3A, %dma_start3A, %dma_start3A_6] : memref<32x50x128xi32, #tpu.memory_space<hbm>> -> memref<1x50x128xi32, #tpu.memory_space<hbm>>
      %dma_start3A_8 = tpu.memref_squeeze %dma_start3A_7 : memref<1x50x128xi32, #tpu.memory_space<hbm>> -> memref<50x128xi32, #tpu.memory_space<hbm>>
      %dma_start3A_9 = arith.constant 0 : i32
      %dma_start3A_10 = arith.constant 0 : i32
      %dma_start3A_11 = tpu.memref_slice %arg3[%add3A, %dma_start3A_9, %dma_start3A_10] : memref<32x50x128xi32, #tpu.memory_space<hbm>> -> memref<1x50x128xi32, #tpu.memory_space<hbm>>
      %dma_start3A_12 = tpu.memref_squeeze %dma_start3A_11 : memref<1x50x128xi32, #tpu.memory_space<hbm>> -> memref<50x128xi32, #tpu.memory_space<hbm>>
      tpu.enqueue_dma source(%dma_start3A_12 : memref<50x128xi32, #tpu.memory_space<hbm>>) target(%arg5 : memref<50x128xi32, #tpu.memory_space<vmem>>) target_semaphore(%run_scoped3A : memref<!tpu.dma_semaphore, #tpu.memory_space<semaphore_mem>>)
      %dma_wait3A = arith.constant 0 : i32
      %dma_wait3A_13 = arith.constant 0 : i32
      %dma_wait3A_14 = tpu.memref_slice %arg3[%add3A, %dma_wait3A, %dma_wait3A_13] : memref<32x50x128xi32, #tpu.memory_space<hbm>> -> memref<1x50x128xi32, #tpu.memory_space<hbm>>
      %dma_wait3A_15 = tpu.memref_squeeze %dma_wait3A_14 : memref<1x50x128xi32, #tpu.memory_space<hbm>> -> memref<50x128xi32, #tpu.memory_space<hbm>>
      %dma_wait3A_16 = arith.constant 0 : i32
      %dma_wait3A_17 = arith.constant 0 : i32
      %dma_wait3A_18 = tpu.memref_slice %arg3[%add3A, %dma_wait3A_16, %dma_wait3A_17] : memref<32x50x128xi32, #tpu.memory_space<hbm>> -> memref<1x50x128xi32, #tpu.memory_space<hbm>>
      %dma_wait3A_19 = tpu.memref_squeeze %dma_wait3A_18 : memref<1x50x128xi32, #tpu.memory_space<hbm>> -> memref<50x128xi32, #tpu.memory_space<hbm>>
      tpu.wait_dma2 semaphore(%run_scoped3A : memref<!tpu.dma_semaphore, #tpu.memory_space<semaphore_mem>>) src(%dma_wait3A_19 : memref<50x128xi32, #tpu.memory_space<hbm>>) dst(%arg5 : memref<50x128xi32, #tpu.memory_space<vmem>>)
      tpu.yield
    }) : () -> ()
    %scan3A = arith.constant 0 : i32
    %scan3A_1 = arith.constant 0 : i32
    %scan3A_2 = arith.constant 50 : i32
    %scan3A_3 = arith.addi %scan3A_1, %scan3A_2 : i32
    %scan3A_4 = arith.constant 1 : i32
    scf.for %scan3A_6 = %scan3A_1 to %scan3A_3 step %scan3A_4  : i32 {
      %dma_start3A = arith.constant 0 : i32
      %dma_start3A_7 = tpu.memref_slice %arg5[%scan3A_6, %dma_start3A] : memref<50x128xi32, #tpu.memory_space<vmem>> -> memref<1x128xi32, #tpu.memory_space<vmem>>
      %dma_start3A_8 = tpu.memref_squeeze %dma_start3A_7 : memref<1x128xi32, #tpu.memory_space<vmem>> -> memref<128xi32, #tpu.memory_space<vmem>>
      %dma_start3A_9 = arith.constant 0 : i32
      %dma_start3A_10 = arith.constant 0 : i32
      %dma_start3A_11 = tpu.memref_slice %arg2[%dma_start3A_9, %dma_start3A_10] : memref<3211264x128xf32, #tpu.memory_space<hbm>> -> memref<3211264x128xf32, #tpu.memory_space<hbm>>
      tpu.enqueue_indirect_dma source(%dma_start3A_11 : memref<3211264x128xf32, #tpu.memory_space<hbm>>) target(%arg6 : memref<128x128xf32, #tpu.memory_space<vmem>>) offsets(%dma_start3A_8 : memref<128xi32, #tpu.memory_space<vmem>>) semaphore(%arg7 : memref<!tpu.dma_semaphore, #tpu.memory_space<semaphore_mem>>)
      %dma_wait3A = arith.constant 0 : i32
      %dma_wait3A_12 = tpu.memref_slice %arg5[%scan3A_6, %dma_wait3A] : memref<50x128xi32, #tpu.memory_space<vmem>> -> memref<1x128xi32, #tpu.memory_space<vmem>>
      %dma_wait3A_13 = tpu.memref_squeeze %dma_wait3A_12 : memref<1x128xi32, #tpu.memory_space<vmem>> -> memref<128xi32, #tpu.memory_space<vmem>>
      %dma_wait3A_14 = arith.constant 0 : i32
      %dma_wait3A_15 = arith.constant 0 : i32
      %dma_wait3A_16 = tpu.memref_slice %arg2[%dma_wait3A_14, %dma_wait3A_15] : memref<3211264x128xf32, #tpu.memory_space<hbm>> -> memref<3211264x128xf32, #tpu.memory_space<hbm>>
      tpu.wait_indirect_dma semaphore(%arg7 : memref<!tpu.dma_semaphore, #tpu.memory_space<semaphore_mem>>) src(%dma_wait3A_16 : memref<3211264x128xf32, #tpu.memory_space<hbm>>) dst(%arg6 : memref<128x128xf32, #tpu.memory_space<vmem>>)
      %mul3A_17 = arith.constant 6400 : i32
      %mul3A_18 = arith.muli %add3A, %mul3A_17 : i32
      %mul3A_19 = arith.constant 128 : i32
      %mul3A_20 = arith.muli %scan3A_6, %mul3A_19 : i32
      %add3A_21 = arith.addi %mul3A_18, %mul3A_20 : i32
      "tpu.region"() ({
        %run_scoped3A = tpu.sem_alloc : memref<!tpu.dma_semaphore, #tpu.memory_space<semaphore_mem>>
        %dma_start3A_22 = arith.constant 0 : i32
        %dma_start3A_23 = tpu.memref_slice %arg4[%add3A_21, %dma_start3A_22] : memref<204800x128xf32, #tpu.memory_space<hbm>> -> memref<128x128xf32, #tpu.memory_space<hbm>>
        %dma_start3A_24 = arith.constant 0 : i32
        %dma_start3A_25 = tpu.memref_slice %arg4[%add3A_21, %dma_start3A_24] : memref<204800x128xf32, #tpu.memory_space<hbm>> -> memref<128x128xf32, #tpu.memory_space<hbm>>
        tpu.enqueue_dma source(%arg6 : memref<128x128xf32, #tpu.memory_space<vmem>>) target(%dma_start3A_25 : memref<128x128xf32, #tpu.memory_space<hbm>>) target_semaphore(%run_scoped3A : memref<!tpu.dma_semaphore, #tpu.memory_space<semaphore_mem>>)
        %dma_wait3A_26 = arith.constant 0 : i32
        %dma_wait3A_27 = tpu.memref_slice %arg4[%add3A_21, %dma_wait3A_26] : memref<204800x128xf32, #tpu.memory_space<hbm>> -> memref<128x128xf32, #tpu.memory_space<hbm>>
        %dma_wait3A_28 = arith.constant 0 : i32
        %dma_wait3A_29 = tpu.memref_slice %arg4[%add3A_21, %dma_wait3A_28] : memref<204800x128xf32, #tpu.memory_space<hbm>> -> memref<128x128xf32, #tpu.memory_space<hbm>>
        tpu.wait_dma2 semaphore(%run_scoped3A : memref<!tpu.dma_semaphore, #tpu.memory_space<semaphore_mem>>) src(%arg6 : memref<128x128xf32, #tpu.memory_space<vmem>>) dst(%dma_wait3A_29 : memref<128x128xf32, #tpu.memory_space<hbm>>)
        tpu.yield
      }) : () -> ()
    }
    %scan3A_5 = arith.constant 50 : i32
    return
  }
}

module attributes {stable_mosaic.version = 14 : i64} {
  func.func @_k1_body(%arg0: i32, %arg1: i32, %arg2: memref<1024x128xf32, #tpu.memory_space<vmem>>, %arg3: memref<2048x128xf32, #tpu.memory_space<vmem>>, %arg4: memref<1024x16x128xf32, #tpu.memory_space<vmem>>, %arg5: memref<1x1024x16xf32, #tpu.memory_space<vmem>>) attributes {dimension_semantics = [#tpu.dimension_semantics<arbitrary>, #tpu.dimension_semantics<arbitrary>], iteration_bounds = array<i64: 4, 49>, scalar_prefetch = 0 : i64, scratch_operands = 0 : i64, tpu.core_type = #tpu.core_type<tc>, window_params = [{transform_indices = @transform_0, window_bounds = array<i64: 1024, 128>}, {transform_indices = @transform_1, window_bounds = array<i64: 2048, 128>}, {transform_indices = @transform_2, window_bounds = array<i64: 1024, 16, 128>}, {transform_indices = @transform_3, window_bounds = array<i64: 1, 1024, 16>}]} {
    %get3A = arith.constant 0 : index
    %get3A_0 = arith.constant 0 : index
    %get3A_1 = vector.load %arg2[%get3A, %get3A_0] : memref<1024x128xf32, #tpu.memory_space<vmem>>, vector<1024x128xf32>
    %get3A_2 = arith.constant 0 : index
    %get3A_3 = arith.constant 0 : index
    %get3A_4 = vector.load %arg3[%get3A_2, %get3A_3] : memref<2048x128xf32, #tpu.memory_space<vmem>>, vector<2048x128xf32>
    %dot_general3A = arith.constant dense<0.000000e+00> : vector<1024x2048xf32>
    %dot_general3A_5 = tpu.matmul %get3A_1, %get3A_4, %dot_general3A {dimension_numbers = #tpu.dot_dimension_numbers<[1], [1], [0], [0], [0, 0, 1, 0], [], []>, transpose_lhs_hint = false} : vector<1024x128xf32>, vector<2048x128xf32>, vector<1024x2048xf32> -> vector<1024x2048xf32>
    %eq3A = arith.constant 48 : i32
    %eq3A_6 = arith.cmpi eq, %arg1, %eq3A : i32
    %convert_element_type3A = arith.extui %eq3A_6 : i1 to i32
    %cond3A = arith.constant 0 : i32
    %cond3A_7 = arith.cmpi ne, %convert_element_type3A, %cond3A : i32
    scf.if %cond3A_7 {
      %iota3A = tpu.iota {dimensions = array<i32: 1>} : vector<1024x2048xi32>
      %add3A = arith.constant 98304 : i32
      %add3A_12 = vector.broadcast %add3A : i32 to vector<1024x2048xi32>
      %add3A_13 = arith.addi %iota3A, %add3A_12 : vector<1024x2048xi32>
      %lt3A = arith.constant 100000 : i32
      %lt3A_14 = vector.broadcast %lt3A : i32 to vector<1024x2048xi32>
      %lt3A_15 = arith.cmpi slt, %add3A_13, %lt3A_14 : vector<1024x2048xi32>
      %jit3A = arith.constant 0xFF800000 : f32
      %broadcast_in_dim3A = vector.broadcast %jit3A : f32 to vector<1024x2048xf32>
      %select_n3A = arith.select %lt3A_15, %dot_general3A_5, %broadcast_in_dim3A : vector<1024x2048xi1>, vector<1024x2048xf32>
      %reshape3A = vector.shape_cast %select_n3A : vector<1024x2048xf32> to vector<1024x16x128xf32>
      %swap3A = arith.constant 0 : index
      %swap3A_16 = arith.constant 0 : index
      %swap3A_17 = arith.constant 0 : index
      %swap3A_18 = vector.load %arg4[%swap3A, %swap3A_16, %swap3A_17] : memref<1024x16x128xf32, #tpu.memory_space<vmem>>, vector<1024x16x128xf32>
      tpu.vector_store %arg4[%swap3A, %swap3A_16, %swap3A_17], %reshape3A {strides = array<i32>} : memref<1024x16x128xf32, #tpu.memory_space<vmem>>, vector<1024x16x128xf32>,
      %reduce_max3A = arith.constant dense<0xFF800000> : vector<1024x16xf32>
      %reduce_max3A_19 = vector.multi_reduction <maximumf>, %reshape3A, %reduce_max3A [2] : vector<1024x16x128xf32> to vector<1024x16xf32>
      %broadcast_in_dim3A_20 = vector.shape_cast %reduce_max3A_19 : vector<1024x16xf32> to vector<1x1024x16xf32>
      %swap3A_21 = arith.constant 0 : index
      %swap3A_22 = arith.constant 0 : index
      %swap3A_23 = arith.constant 0 : index
      %swap3A_24 = vector.load %arg5[%swap3A_21, %swap3A_22, %swap3A_23] : memref<1x1024x16xf32, #tpu.memory_space<vmem>>, vector<1x1024x16xf32>
      tpu.vector_store %arg5[%swap3A_21, %swap3A_22, %swap3A_23], %broadcast_in_dim3A_20 {strides = array<i32>} : memref<1x1024x16xf32, #tpu.memory_space<vmem>>, vector<1x1024x16xf32>,
    } else {
    }
    %ne3A = arith.constant 48 : i32
    %ne3A_8 = arith.cmpi ne, %arg1, %ne3A : i32
    %convert_element_type3A_9 = arith.extui %ne3A_8 : i1 to i32
    %cond3A_10 = arith.constant 0 : i32
    %cond3A_11 = arith.cmpi ne, %convert_element_type3A_9, %cond3A_10 : i32
    scf.if %cond3A_11 {
      %reshape3A = vector.shape_cast %dot_general3A_5 : vector<1024x2048xf32> to vector<1024x16x128xf32>
      %swap3A = arith.constant 0 : index
      %swap3A_12 = arith.constant 0 : index
      %swap3A_13 = arith.constant 0 : index
      %swap3A_14 = vector.load %arg4[%swap3A, %swap3A_12, %swap3A_13] : memref<1024x16x128xf32, #tpu.memory_space<vmem>>, vector<1024x16x128xf32>
      tpu.vector_store %arg4[%swap3A, %swap3A_12, %swap3A_13], %reshape3A {strides = array<i32>} : memref<1024x16x128xf32, #tpu.memory_space<vmem>>, vector<1024x16x128xf32>,
      %reduce_max3A = arith.constant dense<0xFF800000> : vector<1024x16xf32>
      %reduce_max3A_15 = vector.multi_reduction <maximumf>, %reshape3A, %reduce_max3A [2] : vector<1024x16x128xf32> to vector<1024x16xf32>
      %broadcast_in_dim3A = vector.shape_cast %reduce_max3A_15 : vector<1024x16xf32> to vector<1x1024x16xf32>
      %swap3A_16 = arith.constant 0 : index
      %swap3A_17 = arith.constant 0 : index
      %swap3A_18 = arith.constant 0 : index
      %swap3A_19 = vector.load %arg5[%swap3A_16, %swap3A_17, %swap3A_18] : memref<1x1024x16xf32, #tpu.memory_space<vmem>>, vector<1x1024x16xf32>
      tpu.vector_store %arg5[%swap3A_16, %swap3A_17, %swap3A_18], %broadcast_in_dim3A {strides = array<i32>} : memref<1x1024x16xf32, #tpu.memory_space<vmem>>, vector<1x1024x16xf32>,
    } else {
    }
    return
  }
  func.func @transform_0(%arg0: i32, %arg1: i32) -> (i32, i32) {
    %c0_i32 = arith.constant 0 : i32
    %c0_i32_0 = arith.constant 0 : i32
    return %arg0, %c0_i32 : i32, i32
  }
  func.func @transform_1(%arg0: i32, %arg1: i32) -> (i32, i32) {
    %c0_i32 = arith.constant 0 : i32
    %c0_i32_0 = arith.constant 0 : i32
    return %arg1, %c0_i32 : i32, i32
  }
  func.func @transform_2(%arg0: i32, %arg1: i32) -> (i32, i32, i32) {
    %c0_i32 = arith.constant 0 : i32
    %c0_i32_0 = arith.constant 0 : i32
    return %arg0, %arg1, %c0_i32 : i32, i32, i32
  }
  func.func @transform_3(%arg0: i32, %arg1: i32) -> (i32, i32, i32) {
    %c0_i32 = arith.constant 0 : i32
    %c0_i32_0 = arith.constant 0 : i32
    return %arg1, %arg0, %c0_i32 : i32, i32, i32
  }
}

module attributes {stable_mosaic.version = 14 : i64} {
  func.func @_k2_body(%arg0: i32, %arg1: memref<512x784xf32, #tpu.memory_space<vmem>>, %arg2: memref<512x50xi32, #tpu.memory_space<vmem>>, %arg3: memref<512x50xi32, #tpu.memory_space<vmem>>) attributes {dimension_semantics = [#tpu.dimension_semantics<arbitrary>], iteration_bounds = array<i64: 8>, scalar_prefetch = 0 : i64, scratch_operands = 0 : i64, tpu.core_type = #tpu.core_type<tc>, window_params = [{transform_indices = @transform_0, window_bounds = array<i64: 512, 784>}, {transform_indices = @transform_1, window_bounds = array<i64: 512, 50>}, {transform_indices = @transform_2, window_bounds = array<i64: 512, 50>}]} {
    %get3A = arith.constant 0 : index
    %get3A_0 = arith.constant 0 : index
    %get3A_1 = vector.load %arg1[%get3A, %get3A_0] : memref<512x784xf32, #tpu.memory_space<vmem>>, vector<512x784xf32>
    %iota3A = tpu.iota {dimensions = array<i32: 1>} : vector<512x784xi32>
    %iota3A_2 = tpu.iota {dimensions = array<i32: 1>} : vector<512x50xi32>
    %broadcast_in_dim3A = arith.constant 0 : i32
    %broadcast_in_dim3A_3 = vector.broadcast %broadcast_in_dim3A : i32 to vector<512x50xi32>
    %scan3A = arith.constant 0 : i32
    %scan3A_4 = arith.constant 50 : i32
    %scan3A_5 = arith.addi %scan3A, %scan3A_4 : i32
    %scan3A_6 = arith.constant 1 : i32
    %scan3A_7:2 = scf.for %scan3A_30 = %scan3A to %scan3A_5 step %scan3A_6 iter_args(%scan3A_31 = %get3A_1, %scan3A_32 = %broadcast_in_dim3A_3) -> (vector<512x784xf32>, vector<512x50xi32>)  : i32 {
      %reduce_max3A = arith.constant dense<0xFF800000> : vector<512xf32>
      %reduce_max3A_33 = vector.multi_reduction <maximumf>, %scan3A_31, %reduce_max3A [1] : vector<512x784xf32> to vector<512xf32>
      %broadcast_in_dim3A_34 = vector.shape_cast %reduce_max3A_33 : vector<512xf32> to vector<512x1xf32>
      %eq3A = vector.broadcast %broadcast_in_dim3A_34 : vector<512x1xf32> to vector<512x784xf32>
      %eq3A_35 = arith.cmpf oeq, %scan3A_31, %eq3A : vector<512x784xf32>
      %jit3A = arith.constant 784 : i32
      %broadcast_in_dim3A_36 = vector.broadcast %jit3A : i32 to vector<512x784xi32>
      %select_n3A = arith.select %eq3A_35, %iota3A, %broadcast_in_dim3A_36 : vector<512x784xi1>, vector<512x784xi32>
      %reduce_min3A = arith.constant dense<2147483647> : vector<512xi32>
      %reduce_min3A_37 = vector.multi_reduction <minsi>, %select_n3A, %reduce_min3A [1] : vector<512x784xi32> to vector<512xi32>
      %broadcast_in_dim3A_38 = vector.shape_cast %reduce_min3A_37 : vector<512xi32> to vector<512x1xi32>
      %eq3A_39 = vector.broadcast %scan3A_30 : i32 to vector<512x50xi32>
      %eq3A_40 = arith.cmpi eq, %iota3A_2, %eq3A_39 : vector<512x50xi32>
      %broadcast_in_dim3A_41 = vector.shape_cast %broadcast_in_dim3A_38 : vector<512x1xi32> to vector<512x1xi32>
      %broadcast_in_dim3A_42 = vector.broadcast %broadcast_in_dim3A_41 : vector<512x1xi32> to vector<512x50xi32>
      %select_n3A_43 = arith.select %eq3A_40, %broadcast_in_dim3A_42, %scan3A_32 : vector<512x50xi1>, vector<512x50xi32>
      %eq3A_44 = vector.broadcast %broadcast_in_dim3A_38 : vector<512x1xi32> to vector<512x784xi32>
      %eq3A_45 = arith.cmpi eq, %iota3A, %eq3A_44 : vector<512x784xi32>
      %jit3A_46 = arith.constant 0xFF800000 : f32
      %broadcast_in_dim3A_47 = vector.broadcast %jit3A_46 : f32 to vector<512x784xf32>
      %select_n3A_48 = arith.select %eq3A_45, %broadcast_in_dim3A_47, %scan3A_31 : vector<512x784xi1>, vector<512x784xf32>
      scf.yield %select_n3A_48, %select_n3A_43 : vector<512x784xf32>, vector<512x50xi32>
    }
    %scan3A_8 = arith.constant 50 : i32
    %iota3A_9 = tpu.iota {dimensions = array<i32: 1>} : vector<512x50xi32>
    %broadcast_in_dim3A_10 = arith.constant 0 : i32
    %broadcast_in_dim3A_11 = vector.broadcast %broadcast_in_dim3A_10 : i32 to vector<512x50xi32>
    %scan3A_12 = arith.constant 0 : i32
    %scan3A_13 = arith.constant 50 : i32
    %scan3A_14 = arith.addi %scan3A_12, %scan3A_13 : i32
    %scan3A_15 = arith.constant 1 : i32
    %scan3A_16:2 = scf.for %scan3A_30 = %scan3A_12 to %scan3A_14 step %scan3A_15 iter_args(%scan3A_31 = %scan3A_7#1, %scan3A_32 = %broadcast_in_dim3A_11) -> (vector<512x50xi32>, vector<512x50xi32>)  : i32 {
      %reduce_min3A = arith.constant dense<2147483647> : vector<512xi32>
      %reduce_min3A_33 = vector.multi_reduction <minsi>, %scan3A_31, %reduce_min3A [1] : vector<512x50xi32> to vector<512xi32>
      %broadcast_in_dim3A_34 = vector.shape_cast %reduce_min3A_33 : vector<512xi32> to vector<512x1xi32>
      %eq3A = vector.broadcast %scan3A_30 : i32 to vector<512x50xi32>
      %eq3A_35 = arith.cmpi eq, %iota3A_9, %eq3A : vector<512x50xi32>
      %broadcast_in_dim3A_36 = vector.shape_cast %broadcast_in_dim3A_34 : vector<512x1xi32> to vector<512x1xi32>
      %broadcast_in_dim3A_37 = vector.broadcast %broadcast_in_dim3A_36 : vector<512x1xi32> to vector<512x50xi32>
      %select_n3A = arith.select %eq3A_35, %broadcast_in_dim3A_37, %scan3A_32 : vector<512x50xi1>, vector<512x50xi32>
      %eq3A_38 = vector.broadcast %broadcast_in_dim3A_34 : vector<512x1xi32> to vector<512x50xi32>
      %eq3A_39 = arith.cmpi eq, %scan3A_31, %eq3A_38 : vector<512x50xi32>
      %jit3A = arith.constant 2147483647 : i32
      %broadcast_in_dim3A_40 = vector.broadcast %jit3A : i32 to vector<512x50xi32>
      %select_n3A_41 = arith.select %eq3A_39, %broadcast_in_dim3A_40, %scan3A_31 : vector<512x50xi1>, vector<512x50xi32>
      scf.yield %select_n3A_41, %select_n3A : vector<512x50xi32>, vector<512x50xi32>
    }
    %scan3A_17 = arith.constant 50 : i32
    %swap3A = arith.constant 0 : index
    %swap3A_18 = arith.constant 0 : index
    %swap3A_19 = vector.load %arg2[%swap3A, %swap3A_18] : memref<512x50xi32, #tpu.memory_space<vmem>>, vector<512x50xi32>
    tpu.vector_store %arg2[%swap3A, %swap3A_18], %scan3A_16#1 {strides = array<i32>} : memref<512x50xi32, #tpu.memory_space<vmem>>, vector<512x50xi32>,
    %iota3A_20 = tpu.iota {dimensions = array<i32: 0>} : vector<512x50xi32>
    %mul3A = arith.constant 512 : i32
    %mul3A_21 = arith.muli %arg0, %mul3A : i32
    %add3A = vector.broadcast %mul3A_21 : i32 to vector<512x50xi32>
    %add3A_22 = arith.addi %iota3A_20, %add3A : vector<512x50xi32>
    %mul3A_23 = arith.constant 784 : i32
    %mul3A_24 = vector.broadcast %mul3A_23 : i32 to vector<512x50xi32>
    %mul3A_25 = arith.muli %add3A_22, %mul3A_24 : vector<512x50xi32>
    %add3A_26 = arith.addi %mul3A_25, %scan3A_16#1 : vector<512x50xi32>
    %swap3A_27 = arith.constant 0 : index
    %swap3A_28 = arith.constant 0 : index
    %swap3A_29 = vector.load %arg3[%swap3A_27, %swap3A_28] : memref<512x50xi32, #tpu.memory_space<vmem>>, vector<512x50xi32>
    tpu.vector_store %arg3[%swap3A_27, %swap3A_28], %add3A_26 {strides = array<i32>} : memref<512x50xi32, #tpu.memory_space<vmem>>, vector<512x50xi32>,
    return
  }
  func.func @transform_0(%arg0: i32) -> (i32, i32) {
    %c0_i32 = arith.constant 0 : i32
    %c0_i32_0 = arith.constant 0 : i32
    return %arg0, %c0_i32 : i32, i32
  }
  func.func @transform_1(%arg0: i32) -> (i32, i32) {
    %c0_i32 = arith.constant 0 : i32
    %c0_i32_0 = arith.constant 0 : i32
    return %arg0, %c0_i32 : i32, i32
  }
  func.func @transform_2(%arg0: i32) -> (i32, i32) {
    %c0_i32 = arith.constant 0 : i32
    %c0_i32_0 = arith.constant 0 : i32
    return %arg0, %c0_i32 : i32, i32
  }
}

module attributes {stable_mosaic.version = 14 : i64} {
  func.func @_k4_body(%arg0: i32, %arg1: memref<128x6400xf32, #tpu.memory_space<vmem>>, %arg2: memref<128x50xi32, #tpu.memory_space<vmem>>, %arg3: memref<128x800xi32, #tpu.memory_space<vmem>>, %arg4: memref<128x50xi32, #tpu.memory_space<vmem>>) attributes {dimension_semantics = [#tpu.dimension_semantics<arbitrary>], iteration_bounds = array<i64: 32>, scalar_prefetch = 0 : i64, scratch_operands = 0 : i64, tpu.core_type = #tpu.core_type<tc>, window_params = [{transform_indices = @transform_0, window_bounds = array<i64: 128, 6400>}, {transform_indices = @transform_1, window_bounds = array<i64: 128, 50>}, {transform_indices = @transform_2, window_bounds = array<i64: 128, 800>}, {transform_indices = @transform_3, window_bounds = array<i64: 128, 50>}]} {
    %get3A = arith.constant 0 : index
    %get3A_0 = arith.constant 0 : index
    %get3A_1 = vector.load %arg1[%get3A, %get3A_0] : memref<128x6400xf32, #tpu.memory_space<vmem>>, vector<128x6400xf32>
    %reshape3A = vector.shape_cast %get3A_1 : vector<128x6400xf32> to vector<128x400x16xf32>
    %reduce_max3A = arith.constant dense<0xFF800000> : vector<128x400xf32>
    %reduce_max3A_2 = vector.multi_reduction <maximumf>, %reshape3A, %reduce_max3A [2] : vector<128x400x16xf32> to vector<128x400xf32>
    %iota3A = tpu.iota {dimensions = array<i32: 1>} : vector<128x400xi32>
    %iota3A_3 = tpu.iota {dimensions = array<i32: 1>} : vector<128x50xi32>
    %broadcast_in_dim3A = arith.constant 0 : i32
    %broadcast_in_dim3A_4 = vector.broadcast %broadcast_in_dim3A : i32 to vector<128x50xi32>
    %scan3A = arith.constant 0 : i32
    %scan3A_5 = arith.constant 50 : i32
    %scan3A_6 = arith.addi %scan3A, %scan3A_5 : i32
    %scan3A_7 = arith.constant 1 : i32
    %scan3A_8:2 = scf.for %scan3A_584 = %scan3A to %scan3A_6 step %scan3A_7 iter_args(%scan3A_585 = %reduce_max3A_2, %scan3A_586 = %broadcast_in_dim3A_4) -> (vector<128x400xf32>, vector<128x50xi32>)  : i32 {
      %reduce_max3A_587 = arith.constant dense<0xFF800000> : vector<128xf32>
      %reduce_max3A_588 = vector.multi_reduction <maximumf>, %scan3A_585, %reduce_max3A_587 [1] : vector<128x400xf32> to vector<128xf32>
      %broadcast_in_dim3A_589 = vector.shape_cast %reduce_max3A_588 : vector<128xf32> to vector<128x1xf32>
      %eq3A_590 = vector.broadcast %broadcast_in_dim3A_589 : vector<128x1xf32> to vector<128x400xf32>
      %eq3A_591 = arith.cmpf oeq, %scan3A_585, %eq3A_590 : vector<128x400xf32>
      %jit3A_592 = arith.constant 400 : i32
      %broadcast_in_dim3A_593 = vector.broadcast %jit3A_592 : i32 to vector<128x400xi32>
      %select_n3A_594 = arith.select %eq3A_591, %iota3A, %broadcast_in_dim3A_593 : vector<128x400xi1>, vector<128x400xi32>
      %reduce_min3A = arith.constant dense<2147483647> : vector<128xi32>
      %reduce_min3A_595 = vector.multi_reduction <minsi>, %select_n3A_594, %reduce_min3A [1] : vector<128x400xi32> to vector<128xi32>
      %broadcast_in_dim3A_596 = vector.shape_cast %reduce_min3A_595 : vector<128xi32> to vector<128x1xi32>
      %eq3A_597 = vector.broadcast %scan3A_584 : i32 to vector<128x50xi32>
      %eq3A_598 = arith.cmpi eq, %iota3A_3, %eq3A_597 : vector<128x50xi32>
      %broadcast_in_dim3A_599 = vector.shape_cast %broadcast_in_dim3A_596 : vector<128x1xi32> to vector<128x1xi32>
      %broadcast_in_dim3A_600 = vector.broadcast %broadcast_in_dim3A_599 : vector<128x1xi32> to vector<128x50xi32>
      %select_n3A_601 = arith.select %eq3A_598, %broadcast_in_dim3A_600, %scan3A_586 : vector<128x50xi1>, vector<128x50xi32>
      %eq3A_602 = vector.broadcast %broadcast_in_dim3A_596 : vector<128x1xi32> to vector<128x400xi32>
      %eq3A_603 = arith.cmpi eq, %iota3A, %eq3A_602 : vector<128x400xi32>
      %jit3A_604 = arith.constant 0xFF800000 : f32
      %broadcast_in_dim3A_605 = vector.broadcast %jit3A_604 : f32 to vector<128x400xf32>
      %select_n3A_606 = arith.select %eq3A_603, %broadcast_in_dim3A_605, %scan3A_585 : vector<128x400xi1>, vector<128x400xf32>
      scf.yield %select_n3A_606, %select_n3A_601 : vector<128x400xf32>, vector<128x50xi32>
    }
    %scan3A_9 = arith.constant 50 : i32
    %iota3A_10 = tpu.iota {dimensions = array<i32: 1>} : vector<128x50xi32>
    %broadcast_in_dim3A_11 = arith.constant 0 : i32
    %broadcast_in_dim3A_12 = vector.broadcast %broadcast_in_dim3A_11 : i32 to vector<128x50xi32>
    %scan3A_13 = arith.constant 0 : i32
    %scan3A_14 = arith.constant 50 : i32
    %scan3A_15 = arith.addi %scan3A_13, %scan3A_14 : i32
    %scan3A_16 = arith.constant 1 : i32
    %scan3A_17:2 = scf.for %scan3A_584 = %scan3A_13 to %scan3A_15 step %scan3A_16 iter_args(%scan3A_585 = %scan3A_8#1, %scan3A_586 = %broadcast_in_dim3A_12) -> (vector<128x50xi32>, vector<128x50xi32>)  : i32 {
      %reduce_min3A = arith.constant dense<2147483647> : vector<128xi32>
      %reduce_min3A_587 = vector.multi_reduction <minsi>, %scan3A_585, %reduce_min3A [1] : vector<128x50xi32> to vector<128xi32>
      %broadcast_in_dim3A_588 = vector.shape_cast %reduce_min3A_587 : vector<128xi32> to vector<128x1xi32>
      %eq3A_589 = vector.broadcast %scan3A_584 : i32 to vector<128x50xi32>
      %eq3A_590 = arith.cmpi eq, %iota3A_10, %eq3A_589 : vector<128x50xi32>
      %broadcast_in_dim3A_591 = vector.shape_cast %broadcast_in_dim3A_588 : vector<128x1xi32> to vector<128x1xi32>
      %broadcast_in_dim3A_592 = vector.broadcast %broadcast_in_dim3A_591 : vector<128x1xi32> to vector<128x50xi32>
      %select_n3A_593 = arith.select %eq3A_590, %broadcast_in_dim3A_592, %scan3A_586 : vector<128x50xi1>, vector<128x50xi32>
      %eq3A_594 = vector.broadcast %broadcast_in_dim3A_588 : vector<128x1xi32> to vector<128x50xi32>
      %eq3A_595 = arith.cmpi eq, %scan3A_585, %eq3A_594 : vector<128x50xi32>
      %jit3A_596 = arith.constant 2147483647 : i32
      %broadcast_in_dim3A_597 = vector.broadcast %jit3A_596 : i32 to vector<128x50xi32>
      %select_n3A_598 = arith.select %eq3A_595, %broadcast_in_dim3A_597, %scan3A_585 : vector<128x50xi1>, vector<128x50xi32>
      scf.yield %select_n3A_598, %select_n3A_593 : vector<128x50xi32>, vector<128x50xi32>
    }
    %scan3A_18 = arith.constant 50 : i32
    %get3A_19 = arith.constant 0 : index
    %get3A_20 = arith.constant 0 : index
    %get3A_21 = vector.load %arg2[%get3A_19, %get3A_20] : memref<128x50xi32, #tpu.memory_space<vmem>>, vector<128x50xi32>
    %jit3A = arith.constant 8 : i32
    %div3A = vector.broadcast %jit3A : i32 to vector<128x50xi32>
    %div3A_22 = arith.divsi %scan3A_17#1, %div3A : vector<128x50xi32>
    %sign3A = arith.constant 0 : i32
    %sign3A_23 = vector.broadcast %sign3A : i32 to vector<128x50xi32>
    %sign3A_24 = arith.cmpi sgt, %scan3A_17#1, %sign3A_23 : vector<128x50xi32>
    %sign3A_25 = arith.extui %sign3A_24 : vector<128x50xi1> to vector<128x50xi32>
    %sign3A_26 = arith.constant 0 : i32
    %sign3A_27 = vector.broadcast %sign3A_26 : i32 to vector<128x50xi32>
    %sign3A_28 = arith.cmpi slt, %scan3A_17#1, %sign3A_27 : vector<128x50xi32>
    %sign3A_29 = arith.extui %sign3A_28 : vector<128x50xi1> to vector<128x50xi32>
    %sign3A_30 = arith.subi %sign3A_25, %sign3A_29 : vector<128x50xi32>
    %sign3A_31 = arith.constant 0 : i32
    %sign3A_32 = arith.cmpi sgt, %jit3A, %sign3A_31 : i32
    %sign3A_33 = arith.extui %sign3A_32 : i1 to i32
    %sign3A_34 = arith.constant 0 : i32
    %sign3A_35 = arith.cmpi slt, %jit3A, %sign3A_34 : i32
    %sign3A_36 = arith.extui %sign3A_35 : i1 to i32
    %sign3A_37 = arith.subi %sign3A_33, %sign3A_36 : i32
    %ne3A = vector.broadcast %sign3A_37 : i32 to vector<128x50xi32>
    %ne3A_38 = arith.cmpi ne, %sign3A_30, %ne3A : vector<128x50xi32>
    %rem3A = vector.broadcast %jit3A : i32 to vector<128x50xi32>
    %rem3A_39 = arith.remsi %scan3A_17#1, %rem3A : vector<128x50xi32>
    %ne3A_40 = arith.constant 0 : i32
    %ne3A_41 = vector.broadcast %ne3A_40 : i32 to vector<128x50xi32>
    %ne3A_42 = arith.cmpi ne, %rem3A_39, %ne3A_41 : vector<128x50xi32>
    %and3A = arith.andi %ne3A_38, %ne3A_42 : vector<128x50xi1>
    %sub3A = arith.constant 1 : i32
    %sub3A_43 = vector.broadcast %sub3A : i32 to vector<128x50xi32>
    %sub3A_44 = arith.subi %div3A_22, %sub3A_43 : vector<128x50xi32>
    %select_n3A = arith.select %and3A, %sub3A_44, %div3A_22 : vector<128x50xi1>, vector<128x50xi32>
    %broadcast_in_dim3A_45 = arith.constant 0 : i32
    %broadcast_in_dim3A_46 = vector.broadcast %broadcast_in_dim3A_45 : i32 to vector<128x50xi32>
    %eq3A = arith.constant 0 : i32
    %eq3A_47 = vector.broadcast %eq3A : i32 to vector<128x50xi32>
    %eq3A_48 = arith.cmpi eq, %select_n3A, %eq3A_47 : vector<128x50xi32>
    %slice3A = vector.extract_strided_slice %get3A_21 {offsets = [0, 0], sizes = [128, 1], strides = [1, 1]} : vector<128x50xi32> to vector<128x1xi32>
    %jit3A_49 = arith.constant 0 : i32
    %broadcast_in_dim3A_50 = vector.shape_cast %slice3A : vector<128x1xi32> to vector<128x1xi32>
    %broadcast_in_dim3A_51 = vector.broadcast %broadcast_in_dim3A_50 : vector<128x1xi32> to vector<128x50xi32>
    %broadcast_in_dim3A_52 = vector.broadcast %jit3A_49 : i32 to vector<128x50xi32>
    %select_n3A_53 = arith.select %eq3A_48, %broadcast_in_dim3A_51, %broadcast_in_dim3A_52 : vector<128x50xi1>, vector<128x50xi32>
    %add3A = arith.addi %broadcast_in_dim3A_46, %select_n3A_53 : vector<128x50xi32>
    %eq3A_54 = arith.constant 1 : i32
    %eq3A_55 = vector.broadcast %eq3A_54 : i32 to vector<128x50xi32>
    %eq3A_56 = arith.cmpi eq, %select_n3A, %eq3A_55 : vector<128x50xi32>
    %slice3A_57 = vector.extract_strided_slice %get3A_21 {offsets = [0, 1], sizes = [128, 1], strides = [1, 1]} : vector<128x50xi32> to vector<128x1xi32>
    %jit3A_58 = arith.constant 0 : i32
    %broadcast_in_dim3A_59 = vector.shape_cast %slice3A_57 : vector<128x1xi32> to vector<128x1xi32>
    %broadcast_in_dim3A_60 = vector.broadcast %broadcast_in_dim3A_59 : vector<128x1xi32> to vector<128x50xi32>
    %broadcast_in_dim3A_61 = vector.broadcast %jit3A_58 : i32 to vector<128x50xi32>
    %select_n3A_62 = arith.select %eq3A_56, %broadcast_in_dim3A_60, %broadcast_in_dim3A_61 : vector<128x50xi1>, vector<128x50xi32>
    %add3A_63 = arith.addi %add3A, %select_n3A_62 : vector<128x50xi32>
    %eq3A_64 = arith.constant 2 : i32
    %eq3A_65 = vector.broadcast %eq3A_64 : i32 to vector<128x50xi32>
    %eq3A_66 = arith.cmpi eq, %select_n3A, %eq3A_65 : vector<128x50xi32>
    %slice3A_67 = vector.extract_strided_slice %get3A_21 {offsets = [0, 2], sizes = [128, 1], strides = [1, 1]} : vector<128x50xi32> to vector<128x1xi32>
    %jit3A_68 = arith.constant 0 : i32
    %broadcast_in_dim3A_69 = vector.shape_cast %slice3A_67 : vector<128x1xi32> to vector<128x1xi32>
    %broadcast_in_dim3A_70 = vector.broadcast %broadcast_in_dim3A_69 : vector<128x1xi32> to vector<128x50xi32>
    %broadcast_in_dim3A_71 = vector.broadcast %jit3A_68 : i32 to vector<128x50xi32>
    %select_n3A_72 = arith.select %eq3A_66, %broadcast_in_dim3A_70, %broadcast_in_dim3A_71 : vector<128x50xi1>, vector<128x50xi32>
    %add3A_73 = arith.addi %add3A_63, %select_n3A_72 : vector<128x50xi32>
    %eq3A_74 = arith.constant 3 : i32
    %eq3A_75 = vector.broadcast %eq3A_74 : i32 to vector<128x50xi32>
    %eq3A_76 = arith.cmpi eq, %select_n3A, %eq3A_75 : vector<128x50xi32>
    %slice3A_77 = vector.extract_strided_slice %get3A_21 {offsets = [0, 3], sizes = [128, 1], strides = [1, 1]} : vector<128x50xi32> to vector<128x1xi32>
    %jit3A_78 = arith.constant 0 : i32
    %broadcast_in_dim3A_79 = vector.shape_cast %slice3A_77 : vector<128x1xi32> to vector<128x1xi32>
    %broadcast_in_dim3A_80 = vector.broadcast %broadcast_in_dim3A_79 : vector<128x1xi32> to vector<128x50xi32>
    %broadcast_in_dim3A_81 = vector.broadcast %jit3A_78 : i32 to vector<128x50xi32>
    %select_n3A_82 = arith.select %eq3A_76, %broadcast_in_dim3A_80, %broadcast_in_dim3A_81 : vector<128x50xi1>, vector<128x50xi32>
    %add3A_83 = arith.addi %add3A_73, %select_n3A_82 : vector<128x50xi32>
    %eq3A_84 = arith.constant 4 : i32
    %eq3A_85 = vector.broadcast %eq3A_84 : i32 to vector<128x50xi32>
    %eq3A_86 = arith.cmpi eq, %select_n3A, %eq3A_85 : vector<128x50xi32>
    %slice3A_87 = vector.extract_strided_slice %get3A_21 {offsets = [0, 4], sizes = [128, 1], strides = [1, 1]} : vector<128x50xi32> to vector<128x1xi32>
    %jit3A_88 = arith.constant 0 : i32
    %broadcast_in_dim3A_89 = vector.shape_cast %slice3A_87 : vector<128x1xi32> to vector<128x1xi32>
    %broadcast_in_dim3A_90 = vector.broadcast %broadcast_in_dim3A_89 : vector<128x1xi32> to vector<128x50xi32>
    %broadcast_in_dim3A_91 = vector.broadcast %jit3A_88 : i32 to vector<128x50xi32>
    %select_n3A_92 = arith.select %eq3A_86, %broadcast_in_dim3A_90, %broadcast_in_dim3A_91 : vector<128x50xi1>, vector<128x50xi32>
    %add3A_93 = arith.addi %add3A_83, %select_n3A_92 : vector<128x50xi32>
    %eq3A_94 = arith.constant 5 : i32
    %eq3A_95 = vector.broadcast %eq3A_94 : i32 to vector<128x50xi32>
    %eq3A_96 = arith.cmpi eq, %select_n3A, %eq3A_95 : vector<128x50xi32>
    %slice3A_97 = vector.extract_strided_slice %get3A_21 {offsets = [0, 5], sizes = [128, 1], strides = [1, 1]} : vector<128x50xi32> to vector<128x1xi32>
    %jit3A_98 = arith.constant 0 : i32
    %broadcast_in_dim3A_99 = vector.shape_cast %slice3A_97 : vector<128x1xi32> to vector<128x1xi32>
    %broadcast_in_dim3A_100 = vector.broadcast %broadcast_in_dim3A_99 : vector<128x1xi32> to vector<128x50xi32>
    %broadcast_in_dim3A_101 = vector.broadcast %jit3A_98 : i32 to vector<128x50xi32>
    %select_n3A_102 = arith.select %eq3A_96, %broadcast_in_dim3A_100, %broadcast_in_dim3A_101 : vector<128x50xi1>, vector<128x50xi32>
    %add3A_103 = arith.addi %add3A_93, %select_n3A_102 : vector<128x50xi32>
    %eq3A_104 = arith.constant 6 : i32
    %eq3A_105 = vector.broadcast %eq3A_104 : i32 to vector<128x50xi32>
    %eq3A_106 = arith.cmpi eq, %select_n3A, %eq3A_105 : vector<128x50xi32>
    %slice3A_107 = vector.extract_strided_slice %get3A_21 {offsets = [0, 6], sizes = [128, 1], strides = [1, 1]} : vector<128x50xi32> to vector<128x1xi32>
    %jit3A_108 = arith.constant 0 : i32
    %broadcast_in_dim3A_109 = vector.shape_cast %slice3A_107 : vector<128x1xi32> to vector<128x1xi32>
    %broadcast_in_dim3A_110 = vector.broadcast %broadcast_in_dim3A_109 : vector<128x1xi32> to vector<128x50xi32>
    %broadcast_in_dim3A_111 = vector.broadcast %jit3A_108 : i32 to vector<128x50xi32>
    %select_n3A_112 = arith.select %eq3A_106, %broadcast_in_dim3A_110, %broadcast_in_dim3A_111 : vector<128x50xi1>, vector<128x50xi32>
    %add3A_113 = arith.addi %add3A_103, %select_n3A_112 : vector<128x50xi32>
    %eq3A_114 = arith.constant 7 : i32
    %eq3A_115 = vector.broadcast %eq3A_114 : i32 to vector<128x50xi32>
    %eq3A_116 = arith.cmpi eq, %select_n3A, %eq3A_115 : vector<128x50xi32>
    %slice3A_117 = vector.extract_strided_slice %get3A_21 {offsets = [0, 7], sizes = [128, 1], strides = [1, 1]} : vector<128x50xi32> to vector<128x1xi32>
    %jit3A_118 = arith.constant 0 : i32
    %broadcast_in_dim3A_119 = vector.shape_cast %slice3A_117 : vector<128x1xi32> to vector<128x1xi32>
    %broadcast_in_dim3A_120 = vector.broadcast %broadcast_in_dim3A_119 : vector<128x1xi32> to vector<128x50xi32>
    %broadcast_in_dim3A_121 = vector.broadcast %jit3A_118 : i32 to vector<128x50xi32>
    %select_n3A_122 = arith.select %eq3A_116, %broadcast_in_dim3A_120, %broadcast_in_dim3A_121 : vector<128x50xi1>, vector<128x50xi32>
    %add3A_123 = arith.addi %add3A_113, %select_n3A_122 : vector<128x50xi32>
    %eq3A_124 = arith.constant 8 : i32
    %eq3A_125 = vector.broadcast %eq3A_124 : i32 to vector<128x50xi32>
    %eq3A_126 = arith.cmpi eq, %select_n3A, %eq3A_125 : vector<128x50xi32>
    %slice3A_127 = vector.extract_strided_slice %get3A_21 {offsets = [0, 8], sizes = [128, 1], strides = [1, 1]} : vector<128x50xi32> to vector<128x1xi32>
    %jit3A_128 = arith.constant 0 : i32
    %broadcast_in_dim3A_129 = vector.shape_cast %slice3A_127 : vector<128x1xi32> to vector<128x1xi32>
    %broadcast_in_dim3A_130 = vector.broadcast %broadcast_in_dim3A_129 : vector<128x1xi32> to vector<128x50xi32>
    %broadcast_in_dim3A_131 = vector.broadcast %jit3A_128 : i32 to vector<128x50xi32>
    %select_n3A_132 = arith.select %eq3A_126, %broadcast_in_dim3A_130, %broadcast_in_dim3A_131 : vector<128x50xi1>, vector<128x50xi32>
    %add3A_133 = arith.addi %add3A_123, %select_n3A_132 : vector<128x50xi32>
    %eq3A_134 = arith.constant 9 : i32
    %eq3A_135 = vector.broadcast %eq3A_134 : i32 to vector<128x50xi32>
    %eq3A_136 = arith.cmpi eq, %select_n3A, %eq3A_135 : vector<128x50xi32>
    %slice3A_137 = vector.extract_strided_slice %get3A_21 {offsets = [0, 9], sizes = [128, 1], strides = [1, 1]} : vector<128x50xi32> to vector<128x1xi32>
    %jit3A_138 = arith.constant 0 : i32
    %broadcast_in_dim3A_139 = vector.shape_cast %slice3A_137 : vector<128x1xi32> to vector<128x1xi32>
    %broadcast_in_dim3A_140 = vector.broadcast %broadcast_in_dim3A_139 : vector<128x1xi32> to vector<128x50xi32>
    %broadcast_in_dim3A_141 = vector.broadcast %jit3A_138 : i32 to vector<128x50xi32>
    %select_n3A_142 = arith.select %eq3A_136, %broadcast_in_dim3A_140, %broadcast_in_dim3A_141 : vector<128x50xi1>, vector<128x50xi32>
    %add3A_143 = arith.addi %add3A_133, %select_n3A_142 : vector<128x50xi32>
    %eq3A_144 = arith.constant 10 : i32
    %eq3A_145 = vector.broadcast %eq3A_144 : i32 to vector<128x50xi32>
    %eq3A_146 = arith.cmpi eq, %select_n3A, %eq3A_145 : vector<128x50xi32>
    %slice3A_147 = vector.extract_strided_slice %get3A_21 {offsets = [0, 10], sizes = [128, 1], strides = [1, 1]} : vector<128x50xi32> to vector<128x1xi32>
    %jit3A_148 = arith.constant 0 : i32
    %broadcast_in_dim3A_149 = vector.shape_cast %slice3A_147 : vector<128x1xi32> to vector<128x1xi32>
    %broadcast_in_dim3A_150 = vector.broadcast %broadcast_in_dim3A_149 : vector<128x1xi32> to vector<128x50xi32>
    %broadcast_in_dim3A_151 = vector.broadcast %jit3A_148 : i32 to vector<128x50xi32>
    %select_n3A_152 = arith.select %eq3A_146, %broadcast_in_dim3A_150, %broadcast_in_dim3A_151 : vector<128x50xi1>, vector<128x50xi32>
    %add3A_153 = arith.addi %add3A_143, %select_n3A_152 : vector<128x50xi32>
    %eq3A_154 = arith.constant 11 : i32
    %eq3A_155 = vector.broadcast %eq3A_154 : i32 to vector<128x50xi32>
    %eq3A_156 = arith.cmpi eq, %select_n3A, %eq3A_155 : vector<128x50xi32>
    %slice3A_157 = vector.extract_strided_slice %get3A_21 {offsets = [0, 11], sizes = [128, 1], strides = [1, 1]} : vector<128x50xi32> to vector<128x1xi32>
    %jit3A_158 = arith.constant 0 : i32
    %broadcast_in_dim3A_159 = vector.shape_cast %slice3A_157 : vector<128x1xi32> to vector<128x1xi32>
    %broadcast_in_dim3A_160 = vector.broadcast %broadcast_in_dim3A_159 : vector<128x1xi32> to vector<128x50xi32>
    %broadcast_in_dim3A_161 = vector.broadcast %jit3A_158 : i32 to vector<128x50xi32>
    %select_n3A_162 = arith.select %eq3A_156, %broadcast_in_dim3A_160, %broadcast_in_dim3A_161 : vector<128x50xi1>, vector<128x50xi32>
    %add3A_163 = arith.addi %add3A_153, %select_n3A_162 : vector<128x50xi32>
    %eq3A_164 = arith.constant 12 : i32
    %eq3A_165 = vector.broadcast %eq3A_164 : i32 to vector<128x50xi32>
    %eq3A_166 = arith.cmpi eq, %select_n3A, %eq3A_165 : vector<128x50xi32>
    %slice3A_167 = vector.extract_strided_slice %get3A_21 {offsets = [0, 12], sizes = [128, 1], strides = [1, 1]} : vector<128x50xi32> to vector<128x1xi32>
    %jit3A_168 = arith.constant 0 : i32
    %broadcast_in_dim3A_169 = vector.shape_cast %slice3A_167 : vector<128x1xi32> to vector<128x1xi32>
    %broadcast_in_dim3A_170 = vector.broadcast %broadcast_in_dim3A_169 : vector<128x1xi32> to vector<128x50xi32>
    %broadcast_in_dim3A_171 = vector.broadcast %jit3A_168 : i32 to vector<128x50xi32>
    %select_n3A_172 = arith.select %eq3A_166, %broadcast_in_dim3A_170, %broadcast_in_dim3A_171 : vector<128x50xi1>, vector<128x50xi32>
    %add3A_173 = arith.addi %add3A_163, %select_n3A_172 : vector<128x50xi32>
    %eq3A_174 = arith.constant 13 : i32
    %eq3A_175 = vector.broadcast %eq3A_174 : i32 to vector<128x50xi32>
    %eq3A_176 = arith.cmpi eq, %select_n3A, %eq3A_175 : vector<128x50xi32>
    %slice3A_177 = vector.extract_strided_slice %get3A_21 {offsets = [0, 13], sizes = [128, 1], strides = [1, 1]} : vector<128x50xi32> to vector<128x1xi32>
    %jit3A_178 = arith.constant 0 : i32
    %broadcast_in_dim3A_179 = vector.shape_cast %slice3A_177 : vector<128x1xi32> to vector<128x1xi32>
    %broadcast_in_dim3A_180 = vector.broadcast %broadcast_in_dim3A_179 : vector<128x1xi32> to vector<128x50xi32>
    %broadcast_in_dim3A_181 = vector.broadcast %jit3A_178 : i32 to vector<128x50xi32>
    %select_n3A_182 = arith.select %eq3A_176, %broadcast_in_dim3A_180, %broadcast_in_dim3A_181 : vector<128x50xi1>, vector<128x50xi32>
    %add3A_183 = arith.addi %add3A_173, %select_n3A_182 : vector<128x50xi32>
    %eq3A_184 = arith.constant 14 : i32
    %eq3A_185 = vector.broadcast %eq3A_184 : i32 to vector<128x50xi32>
    %eq3A_186 = arith.cmpi eq, %select_n3A, %eq3A_185 : vector<128x50xi32>
    %slice3A_187 = vector.extract_strided_slice %get3A_21 {offsets = [0, 14], sizes = [128, 1], strides = [1, 1]} : vector<128x50xi32> to vector<128x1xi32>
    %jit3A_188 = arith.constant 0 : i32
    %broadcast_in_dim3A_189 = vector.shape_cast %slice3A_187 : vector<128x1xi32> to vector<128x1xi32>
    %broadcast_in_dim3A_190 = vector.broadcast %broadcast_in_dim3A_189 : vector<128x1xi32> to vector<128x50xi32>
    %broadcast_in_dim3A_191 = vector.broadcast %jit3A_188 : i32 to vector<128x50xi32>
    %select_n3A_192 = arith.select %eq3A_186, %broadcast_in_dim3A_190, %broadcast_in_dim3A_191 : vector<128x50xi1>, vector<128x50xi32>
    %add3A_193 = arith.addi %add3A_183, %select_n3A_192 : vector<128x50xi32>
    %eq3A_194 = arith.constant 15 : i32
    %eq3A_195 = vector.broadcast %eq3A_194 : i32 to vector<128x50xi32>
    %eq3A_196 = arith.cmpi eq, %select_n3A, %eq3A_195 : vector<128x50xi32>
    %slice3A_197 = vector.extract_strided_slice %get3A_21 {offsets = [0, 15], sizes = [128, 1], strides = [1, 1]} : vector<128x50xi32> to vector<128x1xi32>
    %jit3A_198 = arith.constant 0 : i32
    %broadcast_in_dim3A_199 = vector.shape_cast %slice3A_197 : vector<128x1xi32> to vector<128x1xi32>
    %broadcast_in_dim3A_200 = vector.broadcast %broadcast_in_dim3A_199 : vector<128x1xi32> to vector<128x50xi32>
    %broadcast_in_dim3A_201 = vector.broadcast %jit3A_198 : i32 to vector<128x50xi32>
    %select_n3A_202 = arith.select %eq3A_196, %broadcast_in_dim3A_200, %broadcast_in_dim3A_201 : vector<128x50xi1>, vector<128x50xi32>
    %add3A_203 = arith.addi %add3A_193, %select_n3A_202 : vector<128x50xi32>
    %eq3A_204 = arith.constant 16 : i32
    %eq3A_205 = vector.broadcast %eq3A_204 : i32 to vector<128x50xi32>
    %eq3A_206 = arith.cmpi eq, %select_n3A, %eq3A_205 : vector<128x50xi32>
    %slice3A_207 = vector.extract_strided_slice %get3A_21 {offsets = [0, 16], sizes = [128, 1], strides = [1, 1]} : vector<128x50xi32> to vector<128x1xi32>
    %jit3A_208 = arith.constant 0 : i32
    %broadcast_in_dim3A_209 = vector.shape_cast %slice3A_207 : vector<128x1xi32> to vector<128x1xi32>
    %broadcast_in_dim3A_210 = vector.broadcast %broadcast_in_dim3A_209 : vector<128x1xi32> to vector<128x50xi32>
    %broadcast_in_dim3A_211 = vector.broadcast %jit3A_208 : i32 to vector<128x50xi32>
    %select_n3A_212 = arith.select %eq3A_206, %broadcast_in_dim3A_210, %broadcast_in_dim3A_211 : vector<128x50xi1>, vector<128x50xi32>
    %add3A_213 = arith.addi %add3A_203, %select_n3A_212 : vector<128x50xi32>
    %eq3A_214 = arith.constant 17 : i32
    %eq3A_215 = vector.broadcast %eq3A_214 : i32 to vector<128x50xi32>
    %eq3A_216 = arith.cmpi eq, %select_n3A, %eq3A_215 : vector<128x50xi32>
    %slice3A_217 = vector.extract_strided_slice %get3A_21 {offsets = [0, 17], sizes = [128, 1], strides = [1, 1]} : vector<128x50xi32> to vector<128x1xi32>
    %jit3A_218 = arith.constant 0 : i32
    %broadcast_in_dim3A_219 = vector.shape_cast %slice3A_217 : vector<128x1xi32> to vector<128x1xi32>
    %broadcast_in_dim3A_220 = vector.broadcast %broadcast_in_dim3A_219 : vector<128x1xi32> to vector<128x50xi32>
    %broadcast_in_dim3A_221 = vector.broadcast %jit3A_218 : i32 to vector<128x50xi32>
    %select_n3A_222 = arith.select %eq3A_216, %broadcast_in_dim3A_220, %broadcast_in_dim3A_221 : vector<128x50xi1>, vector<128x50xi32>
    %add3A_223 = arith.addi %add3A_213, %select_n3A_222 : vector<128x50xi32>
    %eq3A_224 = arith.constant 18 : i32
    %eq3A_225 = vector.broadcast %eq3A_224 : i32 to vector<128x50xi32>
    %eq3A_226 = arith.cmpi eq, %select_n3A, %eq3A_225 : vector<128x50xi32>
    %slice3A_227 = vector.extract_strided_slice %get3A_21 {offsets = [0, 18], sizes = [128, 1], strides = [1, 1]} : vector<128x50xi32> to vector<128x1xi32>
    %jit3A_228 = arith.constant 0 : i32
    %broadcast_in_dim3A_229 = vector.shape_cast %slice3A_227 : vector<128x1xi32> to vector<128x1xi32>
    %broadcast_in_dim3A_230 = vector.broadcast %broadcast_in_dim3A_229 : vector<128x1xi32> to vector<128x50xi32>
    %broadcast_in_dim3A_231 = vector.broadcast %jit3A_228 : i32 to vector<128x50xi32>
    %select_n3A_232 = arith.select %eq3A_226, %broadcast_in_dim3A_230, %broadcast_in_dim3A_231 : vector<128x50xi1>, vector<128x50xi32>
    %add3A_233 = arith.addi %add3A_223, %select_n3A_232 : vector<128x50xi32>
    %eq3A_234 = arith.constant 19 : i32
    %eq3A_235 = vector.broadcast %eq3A_234 : i32 to vector<128x50xi32>
    %eq3A_236 = arith.cmpi eq, %select_n3A, %eq3A_235 : vector<128x50xi32>
    %slice3A_237 = vector.extract_strided_slice %get3A_21 {offsets = [0, 19], sizes = [128, 1], strides = [1, 1]} : vector<128x50xi32> to vector<128x1xi32>
    %jit3A_238 = arith.constant 0 : i32
    %broadcast_in_dim3A_239 = vector.shape_cast %slice3A_237 : vector<128x1xi32> to vector<128x1xi32>
    %broadcast_in_dim3A_240 = vector.broadcast %broadcast_in_dim3A_239 : vector<128x1xi32> to vector<128x50xi32>
    %broadcast_in_dim3A_241 = vector.broadcast %jit3A_238 : i32 to vector<128x50xi32>
    %select_n3A_242 = arith.select %eq3A_236, %broadcast_in_dim3A_240, %broadcast_in_dim3A_241 : vector<128x50xi1>, vector<128x50xi32>
    %add3A_243 = arith.addi %add3A_233, %select_n3A_242 : vector<128x50xi32>
    %eq3A_244 = arith.constant 20 : i32
    %eq3A_245 = vector.broadcast %eq3A_244 : i32 to vector<128x50xi32>
    %eq3A_246 = arith.cmpi eq, %select_n3A, %eq3A_245 : vector<128x50xi32>
    %slice3A_247 = vector.extract_strided_slice %get3A_21 {offsets = [0, 20], sizes = [128, 1], strides = [1, 1]} : vector<128x50xi32> to vector<128x1xi32>
    %jit3A_248 = arith.constant 0 : i32
    %broadcast_in_dim3A_249 = vector.shape_cast %slice3A_247 : vector<128x1xi32> to vector<128x1xi32>
    %broadcast_in_dim3A_250 = vector.broadcast %broadcast_in_dim3A_249 : vector<128x1xi32> to vector<128x50xi32>
    %broadcast_in_dim3A_251 = vector.broadcast %jit3A_248 : i32 to vector<128x50xi32>
    %select_n3A_252 = arith.select %eq3A_246, %broadcast_in_dim3A_250, %broadcast_in_dim3A_251 : vector<128x50xi1>, vector<128x50xi32>
    %add3A_253 = arith.addi %add3A_243, %select_n3A_252 : vector<128x50xi32>
    %eq3A_254 = arith.constant 21 : i32
    %eq3A_255 = vector.broadcast %eq3A_254 : i32 to vector<128x50xi32>
    %eq3A_256 = arith.cmpi eq, %select_n3A, %eq3A_255 : vector<128x50xi32>
    %slice3A_257 = vector.extract_strided_slice %get3A_21 {offsets = [0, 21], sizes = [128, 1], strides = [1, 1]} : vector<128x50xi32> to vector<128x1xi32>
    %jit3A_258 = arith.constant 0 : i32
    %broadcast_in_dim3A_259 = vector.shape_cast %slice3A_257 : vector<128x1xi32> to vector<128x1xi32>
    %broadcast_in_dim3A_260 = vector.broadcast %broadcast_in_dim3A_259 : vector<128x1xi32> to vector<128x50xi32>
    %broadcast_in_dim3A_261 = vector.broadcast %jit3A_258 : i32 to vector<128x50xi32>
    %select_n3A_262 = arith.select %eq3A_256, %broadcast_in_dim3A_260, %broadcast_in_dim3A_261 : vector<128x50xi1>, vector<128x50xi32>
    %add3A_263 = arith.addi %add3A_253, %select_n3A_262 : vector<128x50xi32>
    %eq3A_264 = arith.constant 22 : i32
    %eq3A_265 = vector.broadcast %eq3A_264 : i32 to vector<128x50xi32>
    %eq3A_266 = arith.cmpi eq, %select_n3A, %eq3A_265 : vector<128x50xi32>
    %slice3A_267 = vector.extract_strided_slice %get3A_21 {offsets = [0, 22], sizes = [128, 1], strides = [1, 1]} : vector<128x50xi32> to vector<128x1xi32>
    %jit3A_268 = arith.constant 0 : i32
    %broadcast_in_dim3A_269 = vector.shape_cast %slice3A_267 : vector<128x1xi32> to vector<128x1xi32>
    %broadcast_in_dim3A_270 = vector.broadcast %broadcast_in_dim3A_269 : vector<128x1xi32> to vector<128x50xi32>
    %broadcast_in_dim3A_271 = vector.broadcast %jit3A_268 : i32 to vector<128x50xi32>
    %select_n3A_272 = arith.select %eq3A_266, %broadcast_in_dim3A_270, %broadcast_in_dim3A_271 : vector<128x50xi1>, vector<128x50xi32>
    %add3A_273 = arith.addi %add3A_263, %select_n3A_272 : vector<128x50xi32>
    %eq3A_274 = arith.constant 23 : i32
    %eq3A_275 = vector.broadcast %eq3A_274 : i32 to vector<128x50xi32>
    %eq3A_276 = arith.cmpi eq, %select_n3A, %eq3A_275 : vector<128x50xi32>
    %slice3A_277 = vector.extract_strided_slice %get3A_21 {offsets = [0, 23], sizes = [128, 1], strides = [1, 1]} : vector<128x50xi32> to vector<128x1xi32>
    %jit3A_278 = arith.constant 0 : i32
    %broadcast_in_dim3A_279 = vector.shape_cast %slice3A_277 : vector<128x1xi32> to vector<128x1xi32>
    %broadcast_in_dim3A_280 = vector.broadcast %broadcast_in_dim3A_279 : vector<128x1xi32> to vector<128x50xi32>
    %broadcast_in_dim3A_281 = vector.broadcast %jit3A_278 : i32 to vector<128x50xi32>
    %select_n3A_282 = arith.select %eq3A_276, %broadcast_in_dim3A_280, %broadcast_in_dim3A_281 : vector<128x50xi1>, vector<128x50xi32>
    %add3A_283 = arith.addi %add3A_273, %select_n3A_282 : vector<128x50xi32>
    %eq3A_284 = arith.constant 24 : i32
    %eq3A_285 = vector.broadcast %eq3A_284 : i32 to vector<128x50xi32>
    %eq3A_286 = arith.cmpi eq, %select_n3A, %eq3A_285 : vector<128x50xi32>
    %slice3A_287 = vector.extract_strided_slice %get3A_21 {offsets = [0, 24], sizes = [128, 1], strides = [1, 1]} : vector<128x50xi32> to vector<128x1xi32>
    %jit3A_288 = arith.constant 0 : i32
    %broadcast_in_dim3A_289 = vector.shape_cast %slice3A_287 : vector<128x1xi32> to vector<128x1xi32>
    %broadcast_in_dim3A_290 = vector.broadcast %broadcast_in_dim3A_289 : vector<128x1xi32> to vector<128x50xi32>
    %broadcast_in_dim3A_291 = vector.broadcast %jit3A_288 : i32 to vector<128x50xi32>
    %select_n3A_292 = arith.select %eq3A_286, %broadcast_in_dim3A_290, %broadcast_in_dim3A_291 : vector<128x50xi1>, vector<128x50xi32>
    %add3A_293 = arith.addi %add3A_283, %select_n3A_292 : vector<128x50xi32>
    %eq3A_294 = arith.constant 25 : i32
    %eq3A_295 = vector.broadcast %eq3A_294 : i32 to vector<128x50xi32>
    %eq3A_296 = arith.cmpi eq, %select_n3A, %eq3A_295 : vector<128x50xi32>
    %slice3A_297 = vector.extract_strided_slice %get3A_21 {offsets = [0, 25], sizes = [128, 1], strides = [1, 1]} : vector<128x50xi32> to vector<128x1xi32>
    %jit3A_298 = arith.constant 0 : i32
    %broadcast_in_dim3A_299 = vector.shape_cast %slice3A_297 : vector<128x1xi32> to vector<128x1xi32>
    %broadcast_in_dim3A_300 = vector.broadcast %broadcast_in_dim3A_299 : vector<128x1xi32> to vector<128x50xi32>
    %broadcast_in_dim3A_301 = vector.broadcast %jit3A_298 : i32 to vector<128x50xi32>
    %select_n3A_302 = arith.select %eq3A_296, %broadcast_in_dim3A_300, %broadcast_in_dim3A_301 : vector<128x50xi1>, vector<128x50xi32>
    %add3A_303 = arith.addi %add3A_293, %select_n3A_302 : vector<128x50xi32>
    %eq3A_304 = arith.constant 26 : i32
    %eq3A_305 = vector.broadcast %eq3A_304 : i32 to vector<128x50xi32>
    %eq3A_306 = arith.cmpi eq, %select_n3A, %eq3A_305 : vector<128x50xi32>
    %slice3A_307 = vector.extract_strided_slice %get3A_21 {offsets = [0, 26], sizes = [128, 1], strides = [1, 1]} : vector<128x50xi32> to vector<128x1xi32>
    %jit3A_308 = arith.constant 0 : i32
    %broadcast_in_dim3A_309 = vector.shape_cast %slice3A_307 : vector<128x1xi32> to vector<128x1xi32>
    %broadcast_in_dim3A_310 = vector.broadcast %broadcast_in_dim3A_309 : vector<128x1xi32> to vector<128x50xi32>
    %broadcast_in_dim3A_311 = vector.broadcast %jit3A_308 : i32 to vector<128x50xi32>
    %select_n3A_312 = arith.select %eq3A_306, %broadcast_in_dim3A_310, %broadcast_in_dim3A_311 : vector<128x50xi1>, vector<128x50xi32>
    %add3A_313 = arith.addi %add3A_303, %select_n3A_312 : vector<128x50xi32>
    %eq3A_314 = arith.constant 27 : i32
    %eq3A_315 = vector.broadcast %eq3A_314 : i32 to vector<128x50xi32>
    %eq3A_316 = arith.cmpi eq, %select_n3A, %eq3A_315 : vector<128x50xi32>
    %slice3A_317 = vector.extract_strided_slice %get3A_21 {offsets = [0, 27], sizes = [128, 1], strides = [1, 1]} : vector<128x50xi32> to vector<128x1xi32>
    %jit3A_318 = arith.constant 0 : i32
    %broadcast_in_dim3A_319 = vector.shape_cast %slice3A_317 : vector<128x1xi32> to vector<128x1xi32>
    %broadcast_in_dim3A_320 = vector.broadcast %broadcast_in_dim3A_319 : vector<128x1xi32> to vector<128x50xi32>
    %broadcast_in_dim3A_321 = vector.broadcast %jit3A_318 : i32 to vector<128x50xi32>
    %select_n3A_322 = arith.select %eq3A_316, %broadcast_in_dim3A_320, %broadcast_in_dim3A_321 : vector<128x50xi1>, vector<128x50xi32>
    %add3A_323 = arith.addi %add3A_313, %select_n3A_322 : vector<128x50xi32>
    %eq3A_324 = arith.constant 28 : i32
    %eq3A_325 = vector.broadcast %eq3A_324 : i32 to vector<128x50xi32>
    %eq3A_326 = arith.cmpi eq, %select_n3A, %eq3A_325 : vector<128x50xi32>
    %slice3A_327 = vector.extract_strided_slice %get3A_21 {offsets = [0, 28], sizes = [128, 1], strides = [1, 1]} : vector<128x50xi32> to vector<128x1xi32>
    %jit3A_328 = arith.constant 0 : i32
    %broadcast_in_dim3A_329 = vector.shape_cast %slice3A_327 : vector<128x1xi32> to vector<128x1xi32>
    %broadcast_in_dim3A_330 = vector.broadcast %broadcast_in_dim3A_329 : vector<128x1xi32> to vector<128x50xi32>
    %broadcast_in_dim3A_331 = vector.broadcast %jit3A_328 : i32 to vector<128x50xi32>
    %select_n3A_332 = arith.select %eq3A_326, %broadcast_in_dim3A_330, %broadcast_in_dim3A_331 : vector<128x50xi1>, vector<128x50xi32>
    %add3A_333 = arith.addi %add3A_323, %select_n3A_332 : vector<128x50xi32>
    %eq3A_334 = arith.constant 29 : i32
    %eq3A_335 = vector.broadcast %eq3A_334 : i32 to vector<128x50xi32>
    %eq3A_336 = arith.cmpi eq, %select_n3A, %eq3A_335 : vector<128x50xi32>
    %slice3A_337 = vector.extract_strided_slice %get3A_21 {offsets = [0, 29], sizes = [128, 1], strides = [1, 1]} : vector<128x50xi32> to vector<128x1xi32>
    %jit3A_338 = arith.constant 0 : i32
    %broadcast_in_dim3A_339 = vector.shape_cast %slice3A_337 : vector<128x1xi32> to vector<128x1xi32>
    %broadcast_in_dim3A_340 = vector.broadcast %broadcast_in_dim3A_339 : vector<128x1xi32> to vector<128x50xi32>
    %broadcast_in_dim3A_341 = vector.broadcast %jit3A_338 : i32 to vector<128x50xi32>
    %select_n3A_342 = arith.select %eq3A_336, %broadcast_in_dim3A_340, %broadcast_in_dim3A_341 : vector<128x50xi1>, vector<128x50xi32>
    %add3A_343 = arith.addi %add3A_333, %select_n3A_342 : vector<128x50xi32>
    %eq3A_344 = arith.constant 30 : i32
    %eq3A_345 = vector.broadcast %eq3A_344 : i32 to vector<128x50xi32>
    %eq3A_346 = arith.cmpi eq, %select_n3A, %eq3A_345 : vector<128x50xi32>
    %slice3A_347 = vector.extract_strided_slice %get3A_21 {offsets = [0, 30], sizes = [128, 1], strides = [1, 1]} : vector<128x50xi32> to vector<128x1xi32>
    %jit3A_348 = arith.constant 0 : i32
    %broadcast_in_dim3A_349 = vector.shape_cast %slice3A_347 : vector<128x1xi32> to vector<128x1xi32>
    %broadcast_in_dim3A_350 = vector.broadcast %broadcast_in_dim3A_349 : vector<128x1xi32> to vector<128x50xi32>
    %broadcast_in_dim3A_351 = vector.broadcast %jit3A_348 : i32 to vector<128x50xi32>
    %select_n3A_352 = arith.select %eq3A_346, %broadcast_in_dim3A_350, %broadcast_in_dim3A_351 : vector<128x50xi1>, vector<128x50xi32>
    %add3A_353 = arith.addi %add3A_343, %select_n3A_352 : vector<128x50xi32>
    %eq3A_354 = arith.constant 31 : i32
    %eq3A_355 = vector.broadcast %eq3A_354 : i32 to vector<128x50xi32>
    %eq3A_356 = arith.cmpi eq, %select_n3A, %eq3A_355 : vector<128x50xi32>
    %slice3A_357 = vector.extract_strided_slice %get3A_21 {offsets = [0, 31], sizes = [128, 1], strides = [1, 1]} : vector<128x50xi32> to vector<128x1xi32>
    %jit3A_358 = arith.constant 0 : i32
    %broadcast_in_dim3A_359 = vector.shape_cast %slice3A_357 : vector<128x1xi32> to vector<128x1xi32>
    %broadcast_in_dim3A_360 = vector.broadcast %broadcast_in_dim3A_359 : vector<128x1xi32> to vector<128x50xi32>
    %broadcast_in_dim3A_361 = vector.broadcast %jit3A_358 : i32 to vector<128x50xi32>
    %select_n3A_362 = arith.select %eq3A_356, %broadcast_in_dim3A_360, %broadcast_in_dim3A_361 : vector<128x50xi1>, vector<128x50xi32>
    %add3A_363 = arith.addi %add3A_353, %select_n3A_362 : vector<128x50xi32>
    %eq3A_364 = arith.constant 32 : i32
    %eq3A_365 = vector.broadcast %eq3A_364 : i32 to vector<128x50xi32>
    %eq3A_366 = arith.cmpi eq, %select_n3A, %eq3A_365 : vector<128x50xi32>
    %slice3A_367 = vector.extract_strided_slice %get3A_21 {offsets = [0, 32], sizes = [128, 1], strides = [1, 1]} : vector<128x50xi32> to vector<128x1xi32>
    %jit3A_368 = arith.constant 0 : i32
    %broadcast_in_dim3A_369 = vector.shape_cast %slice3A_367 : vector<128x1xi32> to vector<128x1xi32>
    %broadcast_in_dim3A_370 = vector.broadcast %broadcast_in_dim3A_369 : vector<128x1xi32> to vector<128x50xi32>
    %broadcast_in_dim3A_371 = vector.broadcast %jit3A_368 : i32 to vector<128x50xi32>
    %select_n3A_372 = arith.select %eq3A_366, %broadcast_in_dim3A_370, %broadcast_in_dim3A_371 : vector<128x50xi1>, vector<128x50xi32>
    %add3A_373 = arith.addi %add3A_363, %select_n3A_372 : vector<128x50xi32>
    %eq3A_374 = arith.constant 33 : i32
    %eq3A_375 = vector.broadcast %eq3A_374 : i32 to vector<128x50xi32>
    %eq3A_376 = arith.cmpi eq, %select_n3A, %eq3A_375 : vector<128x50xi32>
    %slice3A_377 = vector.extract_strided_slice %get3A_21 {offsets = [0, 33], sizes = [128, 1], strides = [1, 1]} : vector<128x50xi32> to vector<128x1xi32>
    %jit3A_378 = arith.constant 0 : i32
    %broadcast_in_dim3A_379 = vector.shape_cast %slice3A_377 : vector<128x1xi32> to vector<128x1xi32>
    %broadcast_in_dim3A_380 = vector.broadcast %broadcast_in_dim3A_379 : vector<128x1xi32> to vector<128x50xi32>
    %broadcast_in_dim3A_381 = vector.broadcast %jit3A_378 : i32 to vector<128x50xi32>
    %select_n3A_382 = arith.select %eq3A_376, %broadcast_in_dim3A_380, %broadcast_in_dim3A_381 : vector<128x50xi1>, vector<128x50xi32>
    %add3A_383 = arith.addi %add3A_373, %select_n3A_382 : vector<128x50xi32>
    %eq3A_384 = arith.constant 34 : i32
    %eq3A_385 = vector.broadcast %eq3A_384 : i32 to vector<128x50xi32>
    %eq3A_386 = arith.cmpi eq, %select_n3A, %eq3A_385 : vector<128x50xi32>
    %slice3A_387 = vector.extract_strided_slice %get3A_21 {offsets = [0, 34], sizes = [128, 1], strides = [1, 1]} : vector<128x50xi32> to vector<128x1xi32>
    %jit3A_388 = arith.constant 0 : i32
    %broadcast_in_dim3A_389 = vector.shape_cast %slice3A_387 : vector<128x1xi32> to vector<128x1xi32>
    %broadcast_in_dim3A_390 = vector.broadcast %broadcast_in_dim3A_389 : vector<128x1xi32> to vector<128x50xi32>
    %broadcast_in_dim3A_391 = vector.broadcast %jit3A_388 : i32 to vector<128x50xi32>
    %select_n3A_392 = arith.select %eq3A_386, %broadcast_in_dim3A_390, %broadcast_in_dim3A_391 : vector<128x50xi1>, vector<128x50xi32>
    %add3A_393 = arith.addi %add3A_383, %select_n3A_392 : vector<128x50xi32>
    %eq3A_394 = arith.constant 35 : i32
    %eq3A_395 = vector.broadcast %eq3A_394 : i32 to vector<128x50xi32>
    %eq3A_396 = arith.cmpi eq, %select_n3A, %eq3A_395 : vector<128x50xi32>
    %slice3A_397 = vector.extract_strided_slice %get3A_21 {offsets = [0, 35], sizes = [128, 1], strides = [1, 1]} : vector<128x50xi32> to vector<128x1xi32>
    %jit3A_398 = arith.constant 0 : i32
    %broadcast_in_dim3A_399 = vector.shape_cast %slice3A_397 : vector<128x1xi32> to vector<128x1xi32>
    %broadcast_in_dim3A_400 = vector.broadcast %broadcast_in_dim3A_399 : vector<128x1xi32> to vector<128x50xi32>
    %broadcast_in_dim3A_401 = vector.broadcast %jit3A_398 : i32 to vector<128x50xi32>
    %select_n3A_402 = arith.select %eq3A_396, %broadcast_in_dim3A_400, %broadcast_in_dim3A_401 : vector<128x50xi1>, vector<128x50xi32>
    %add3A_403 = arith.addi %add3A_393, %select_n3A_402 : vector<128x50xi32>
    %eq3A_404 = arith.constant 36 : i32
    %eq3A_405 = vector.broadcast %eq3A_404 : i32 to vector<128x50xi32>
    %eq3A_406 = arith.cmpi eq, %select_n3A, %eq3A_405 : vector<128x50xi32>
    %slice3A_407 = vector.extract_strided_slice %get3A_21 {offsets = [0, 36], sizes = [128, 1], strides = [1, 1]} : vector<128x50xi32> to vector<128x1xi32>
    %jit3A_408 = arith.constant 0 : i32
    %broadcast_in_dim3A_409 = vector.shape_cast %slice3A_407 : vector<128x1xi32> to vector<128x1xi32>
    %broadcast_in_dim3A_410 = vector.broadcast %broadcast_in_dim3A_409 : vector<128x1xi32> to vector<128x50xi32>
    %broadcast_in_dim3A_411 = vector.broadcast %jit3A_408 : i32 to vector<128x50xi32>
    %select_n3A_412 = arith.select %eq3A_406, %broadcast_in_dim3A_410, %broadcast_in_dim3A_411 : vector<128x50xi1>, vector<128x50xi32>
    %add3A_413 = arith.addi %add3A_403, %select_n3A_412 : vector<128x50xi32>
    %eq3A_414 = arith.constant 37 : i32
    %eq3A_415 = vector.broadcast %eq3A_414 : i32 to vector<128x50xi32>
    %eq3A_416 = arith.cmpi eq, %select_n3A, %eq3A_415 : vector<128x50xi32>
    %slice3A_417 = vector.extract_strided_slice %get3A_21 {offsets = [0, 37], sizes = [128, 1], strides = [1, 1]} : vector<128x50xi32> to vector<128x1xi32>
    %jit3A_418 = arith.constant 0 : i32
    %broadcast_in_dim3A_419 = vector.shape_cast %slice3A_417 : vector<128x1xi32> to vector<128x1xi32>
    %broadcast_in_dim3A_420 = vector.broadcast %broadcast_in_dim3A_419 : vector<128x1xi32> to vector<128x50xi32>
    %broadcast_in_dim3A_421 = vector.broadcast %jit3A_418 : i32 to vector<128x50xi32>
    %select_n3A_422 = arith.select %eq3A_416, %broadcast_in_dim3A_420, %broadcast_in_dim3A_421 : vector<128x50xi1>, vector<128x50xi32>
    %add3A_423 = arith.addi %add3A_413, %select_n3A_422 : vector<128x50xi32>
    %eq3A_424 = arith.constant 38 : i32
    %eq3A_425 = vector.broadcast %eq3A_424 : i32 to vector<128x50xi32>
    %eq3A_426 = arith.cmpi eq, %select_n3A, %eq3A_425 : vector<128x50xi32>
    %slice3A_427 = vector.extract_strided_slice %get3A_21 {offsets = [0, 38], sizes = [128, 1], strides = [1, 1]} : vector<128x50xi32> to vector<128x1xi32>
    %jit3A_428 = arith.constant 0 : i32
    %broadcast_in_dim3A_429 = vector.shape_cast %slice3A_427 : vector<128x1xi32> to vector<128x1xi32>
    %broadcast_in_dim3A_430 = vector.broadcast %broadcast_in_dim3A_429 : vector<128x1xi32> to vector<128x50xi32>
    %broadcast_in_dim3A_431 = vector.broadcast %jit3A_428 : i32 to vector<128x50xi32>
    %select_n3A_432 = arith.select %eq3A_426, %broadcast_in_dim3A_430, %broadcast_in_dim3A_431 : vector<128x50xi1>, vector<128x50xi32>
    %add3A_433 = arith.addi %add3A_423, %select_n3A_432 : vector<128x50xi32>
    %eq3A_434 = arith.constant 39 : i32
    %eq3A_435 = vector.broadcast %eq3A_434 : i32 to vector<128x50xi32>
    %eq3A_436 = arith.cmpi eq, %select_n3A, %eq3A_435 : vector<128x50xi32>
    %slice3A_437 = vector.extract_strided_slice %get3A_21 {offsets = [0, 39], sizes = [128, 1], strides = [1, 1]} : vector<128x50xi32> to vector<128x1xi32>
    %jit3A_438 = arith.constant 0 : i32
    %broadcast_in_dim3A_439 = vector.shape_cast %slice3A_437 : vector<128x1xi32> to vector<128x1xi32>
    %broadcast_in_dim3A_440 = vector.broadcast %broadcast_in_dim3A_439 : vector<128x1xi32> to vector<128x50xi32>
    %broadcast_in_dim3A_441 = vector.broadcast %jit3A_438 : i32 to vector<128x50xi32>
    %select_n3A_442 = arith.select %eq3A_436, %broadcast_in_dim3A_440, %broadcast_in_dim3A_441 : vector<128x50xi1>, vector<128x50xi32>
    %add3A_443 = arith.addi %add3A_433, %select_n3A_442 : vector<128x50xi32>
    %eq3A_444 = arith.constant 40 : i32
    %eq3A_445 = vector.broadcast %eq3A_444 : i32 to vector<128x50xi32>
    %eq3A_446 = arith.cmpi eq, %select_n3A, %eq3A_445 : vector<128x50xi32>
    %slice3A_447 = vector.extract_strided_slice %get3A_21 {offsets = [0, 40], sizes = [128, 1], strides = [1, 1]} : vector<128x50xi32> to vector<128x1xi32>
    %jit3A_448 = arith.constant 0 : i32
    %broadcast_in_dim3A_449 = vector.shape_cast %slice3A_447 : vector<128x1xi32> to vector<128x1xi32>
    %broadcast_in_dim3A_450 = vector.broadcast %broadcast_in_dim3A_449 : vector<128x1xi32> to vector<128x50xi32>
    %broadcast_in_dim3A_451 = vector.broadcast %jit3A_448 : i32 to vector<128x50xi32>
    %select_n3A_452 = arith.select %eq3A_446, %broadcast_in_dim3A_450, %broadcast_in_dim3A_451 : vector<128x50xi1>, vector<128x50xi32>
    %add3A_453 = arith.addi %add3A_443, %select_n3A_452 : vector<128x50xi32>
    %eq3A_454 = arith.constant 41 : i32
    %eq3A_455 = vector.broadcast %eq3A_454 : i32 to vector<128x50xi32>
    %eq3A_456 = arith.cmpi eq, %select_n3A, %eq3A_455 : vector<128x50xi32>
    %slice3A_457 = vector.extract_strided_slice %get3A_21 {offsets = [0, 41], sizes = [128, 1], strides = [1, 1]} : vector<128x50xi32> to vector<128x1xi32>
    %jit3A_458 = arith.constant 0 : i32
    %broadcast_in_dim3A_459 = vector.shape_cast %slice3A_457 : vector<128x1xi32> to vector<128x1xi32>
    %broadcast_in_dim3A_460 = vector.broadcast %broadcast_in_dim3A_459 : vector<128x1xi32> to vector<128x50xi32>
    %broadcast_in_dim3A_461 = vector.broadcast %jit3A_458 : i32 to vector<128x50xi32>
    %select_n3A_462 = arith.select %eq3A_456, %broadcast_in_dim3A_460, %broadcast_in_dim3A_461 : vector<128x50xi1>, vector<128x50xi32>
    %add3A_463 = arith.addi %add3A_453, %select_n3A_462 : vector<128x50xi32>
    %eq3A_464 = arith.constant 42 : i32
    %eq3A_465 = vector.broadcast %eq3A_464 : i32 to vector<128x50xi32>
    %eq3A_466 = arith.cmpi eq, %select_n3A, %eq3A_465 : vector<128x50xi32>
    %slice3A_467 = vector.extract_strided_slice %get3A_21 {offsets = [0, 42], sizes = [128, 1], strides = [1, 1]} : vector<128x50xi32> to vector<128x1xi32>
    %jit3A_468 = arith.constant 0 : i32
    %broadcast_in_dim3A_469 = vector.shape_cast %slice3A_467 : vector<128x1xi32> to vector<128x1xi32>
    %broadcast_in_dim3A_470 = vector.broadcast %broadcast_in_dim3A_469 : vector<128x1xi32> to vector<128x50xi32>
    %broadcast_in_dim3A_471 = vector.broadcast %jit3A_468 : i32 to vector<128x50xi32>
    %select_n3A_472 = arith.select %eq3A_466, %broadcast_in_dim3A_470, %broadcast_in_dim3A_471 : vector<128x50xi1>, vector<128x50xi32>
    %add3A_473 = arith.addi %add3A_463, %select_n3A_472 : vector<128x50xi32>
    %eq3A_474 = arith.constant 43 : i32
    %eq3A_475 = vector.broadcast %eq3A_474 : i32 to vector<128x50xi32>
    %eq3A_476 = arith.cmpi eq, %select_n3A, %eq3A_475 : vector<128x50xi32>
    %slice3A_477 = vector.extract_strided_slice %get3A_21 {offsets = [0, 43], sizes = [128, 1], strides = [1, 1]} : vector<128x50xi32> to vector<128x1xi32>
    %jit3A_478 = arith.constant 0 : i32
    %broadcast_in_dim3A_479 = vector.shape_cast %slice3A_477 : vector<128x1xi32> to vector<128x1xi32>
    %broadcast_in_dim3A_480 = vector.broadcast %broadcast_in_dim3A_479 : vector<128x1xi32> to vector<128x50xi32>
    %broadcast_in_dim3A_481 = vector.broadcast %jit3A_478 : i32 to vector<128x50xi32>
    %select_n3A_482 = arith.select %eq3A_476, %broadcast_in_dim3A_480, %broadcast_in_dim3A_481 : vector<128x50xi1>, vector<128x50xi32>
    %add3A_483 = arith.addi %add3A_473, %select_n3A_482 : vector<128x50xi32>
    %eq3A_484 = arith.constant 44 : i32
    %eq3A_485 = vector.broadcast %eq3A_484 : i32 to vector<128x50xi32>
    %eq3A_486 = arith.cmpi eq, %select_n3A, %eq3A_485 : vector<128x50xi32>
    %slice3A_487 = vector.extract_strided_slice %get3A_21 {offsets = [0, 44], sizes = [128, 1], strides = [1, 1]} : vector<128x50xi32> to vector<128x1xi32>
    %jit3A_488 = arith.constant 0 : i32
    %broadcast_in_dim3A_489 = vector.shape_cast %slice3A_487 : vector<128x1xi32> to vector<128x1xi32>
    %broadcast_in_dim3A_490 = vector.broadcast %broadcast_in_dim3A_489 : vector<128x1xi32> to vector<128x50xi32>
    %broadcast_in_dim3A_491 = vector.broadcast %jit3A_488 : i32 to vector<128x50xi32>
    %select_n3A_492 = arith.select %eq3A_486, %broadcast_in_dim3A_490, %broadcast_in_dim3A_491 : vector<128x50xi1>, vector<128x50xi32>
    %add3A_493 = arith.addi %add3A_483, %select_n3A_492 : vector<128x50xi32>
    %eq3A_494 = arith.constant 45 : i32
    %eq3A_495 = vector.broadcast %eq3A_494 : i32 to vector<128x50xi32>
    %eq3A_496 = arith.cmpi eq, %select_n3A, %eq3A_495 : vector<128x50xi32>
    %slice3A_497 = vector.extract_strided_slice %get3A_21 {offsets = [0, 45], sizes = [128, 1], strides = [1, 1]} : vector<128x50xi32> to vector<128x1xi32>
    %jit3A_498 = arith.constant 0 : i32
    %broadcast_in_dim3A_499 = vector.shape_cast %slice3A_497 : vector<128x1xi32> to vector<128x1xi32>
    %broadcast_in_dim3A_500 = vector.broadcast %broadcast_in_dim3A_499 : vector<128x1xi32> to vector<128x50xi32>
    %broadcast_in_dim3A_501 = vector.broadcast %jit3A_498 : i32 to vector<128x50xi32>
    %select_n3A_502 = arith.select %eq3A_496, %broadcast_in_dim3A_500, %broadcast_in_dim3A_501 : vector<128x50xi1>, vector<128x50xi32>
    %add3A_503 = arith.addi %add3A_493, %select_n3A_502 : vector<128x50xi32>
    %eq3A_504 = arith.constant 46 : i32
    %eq3A_505 = vector.broadcast %eq3A_504 : i32 to vector<128x50xi32>
    %eq3A_506 = arith.cmpi eq, %select_n3A, %eq3A_505 : vector<128x50xi32>
    %slice3A_507 = vector.extract_strided_slice %get3A_21 {offsets = [0, 46], sizes = [128, 1], strides = [1, 1]} : vector<128x50xi32> to vector<128x1xi32>
    %jit3A_508 = arith.constant 0 : i32
    %broadcast_in_dim3A_509 = vector.shape_cast %slice3A_507 : vector<128x1xi32> to vector<128x1xi32>
    %broadcast_in_dim3A_510 = vector.broadcast %broadcast_in_dim3A_509 : vector<128x1xi32> to vector<128x50xi32>
    %broadcast_in_dim3A_511 = vector.broadcast %jit3A_508 : i32 to vector<128x50xi32>
    %select_n3A_512 = arith.select %eq3A_506, %broadcast_in_dim3A_510, %broadcast_in_dim3A_511 : vector<128x50xi1>, vector<128x50xi32>
    %add3A_513 = arith.addi %add3A_503, %select_n3A_512 : vector<128x50xi32>
    %eq3A_514 = arith.constant 47 : i32
    %eq3A_515 = vector.broadcast %eq3A_514 : i32 to vector<128x50xi32>
    %eq3A_516 = arith.cmpi eq, %select_n3A, %eq3A_515 : vector<128x50xi32>
    %slice3A_517 = vector.extract_strided_slice %get3A_21 {offsets = [0, 47], sizes = [128, 1], strides = [1, 1]} : vector<128x50xi32> to vector<128x1xi32>
    %jit3A_518 = arith.constant 0 : i32
    %broadcast_in_dim3A_519 = vector.shape_cast %slice3A_517 : vector<128x1xi32> to vector<128x1xi32>
    %broadcast_in_dim3A_520 = vector.broadcast %broadcast_in_dim3A_519 : vector<128x1xi32> to vector<128x50xi32>
    %broadcast_in_dim3A_521 = vector.broadcast %jit3A_518 : i32 to vector<128x50xi32>
    %select_n3A_522 = arith.select %eq3A_516, %broadcast_in_dim3A_520, %broadcast_in_dim3A_521 : vector<128x50xi1>, vector<128x50xi32>
    %add3A_523 = arith.addi %add3A_513, %select_n3A_522 : vector<128x50xi32>
    %eq3A_524 = arith.constant 48 : i32
    %eq3A_525 = vector.broadcast %eq3A_524 : i32 to vector<128x50xi32>
    %eq3A_526 = arith.cmpi eq, %select_n3A, %eq3A_525 : vector<128x50xi32>
    %slice3A_527 = vector.extract_strided_slice %get3A_21 {offsets = [0, 48], sizes = [128, 1], strides = [1, 1]} : vector<128x50xi32> to vector<128x1xi32>
    %jit3A_528 = arith.constant 0 : i32
    %broadcast_in_dim3A_529 = vector.shape_cast %slice3A_527 : vector<128x1xi32> to vector<128x1xi32>
    %broadcast_in_dim3A_530 = vector.broadcast %broadcast_in_dim3A_529 : vector<128x1xi32> to vector<128x50xi32>
    %broadcast_in_dim3A_531 = vector.broadcast %jit3A_528 : i32 to vector<128x50xi32>
    %select_n3A_532 = arith.select %eq3A_526, %broadcast_in_dim3A_530, %broadcast_in_dim3A_531 : vector<128x50xi1>, vector<128x50xi32>
    %add3A_533 = arith.addi %add3A_523, %select_n3A_532 : vector<128x50xi32>
    %eq3A_534 = arith.constant 49 : i32
    %eq3A_535 = vector.broadcast %eq3A_534 : i32 to vector<128x50xi32>
    %eq3A_536 = arith.cmpi eq, %select_n3A, %eq3A_535 : vector<128x50xi32>
    %slice3A_537 = vector.extract_strided_slice %get3A_21 {offsets = [0, 49], sizes = [128, 1], strides = [1, 1]} : vector<128x50xi32> to vector<128x1xi32>
    %jit3A_538 = arith.constant 0 : i32
    %broadcast_in_dim3A_539 = vector.shape_cast %slice3A_537 : vector<128x1xi32> to vector<128x1xi32>
    %broadcast_in_dim3A_540 = vector.broadcast %broadcast_in_dim3A_539 : vector<128x1xi32> to vector<128x50xi32>
    %broadcast_in_dim3A_541 = vector.broadcast %jit3A_538 : i32 to vector<128x50xi32>
    %select_n3A_542 = arith.select %eq3A_536, %broadcast_in_dim3A_540, %broadcast_in_dim3A_541 : vector<128x50xi1>, vector<128x50xi32>
    %add3A_543 = arith.addi %add3A_533, %select_n3A_542 : vector<128x50xi32>
    %mul3A = arith.constant 128 : i32
    %mul3A_544 = vector.broadcast %mul3A : i32 to vector<128x50xi32>
    %mul3A_545 = arith.muli %add3A_543, %mul3A_544 : vector<128x50xi32>
    %jit3A_546 = arith.constant 8 : i32
    %eq3A_547 = arith.constant 0 : i32
    %eq3A_548 = arith.cmpi eq, %jit3A_546, %eq3A_547 : i32
    %jit3A_549 = arith.constant 1 : i32
    %select_n3A_550 = arith.select %eq3A_548, %jit3A_549, %jit3A_546 : i32
    %rem3A_551 = vector.broadcast %select_n3A_550 : i32 to vector<128x50xi32>
    %rem3A_552 = arith.remsi %scan3A_17#1, %rem3A_551 : vector<128x50xi32>
    %ne3A_553 = arith.constant 0 : i32
    %ne3A_554 = vector.broadcast %ne3A_553 : i32 to vector<128x50xi32>
    %ne3A_555 = arith.cmpi ne, %rem3A_552, %ne3A_554 : vector<128x50xi32>
    %lt3A = arith.constant 0 : i32
    %lt3A_556 = vector.broadcast %lt3A : i32 to vector<128x50xi32>
    %lt3A_557 = arith.cmpi slt, %rem3A_552, %lt3A_556 : vector<128x50xi32>
    %lt3A_558 = arith.constant 0 : i32
    %lt3A_559 = arith.cmpi slt, %select_n3A_550, %lt3A_558 : i32
    %ne3A_560 = vector.broadcast %lt3A_559 : i1 to vector<128x50xi1>
    %ne3A_561 = vector.broadcast %ne3A_560 : vector<128x50xi1> to vector<128x50xi1>
    %ne3A_562 = arith.xori %lt3A_557, %ne3A_561 : vector<128x50xi1>
    %and3A_563 = arith.andi %ne3A_562, %ne3A_555 : vector<128x50xi1>
    %add3A_564 = vector.broadcast %select_n3A_550 : i32 to vector<128x50xi32>
    %add3A_565 = arith.addi %rem3A_552, %add3A_564 : vector<128x50xi32>
    %select_n3A_566 = arith.select %and3A_563, %add3A_565, %rem3A_552 : vector<128x50xi1>, vector<128x50xi32>
    %mul3A_567 = arith.constant 16 : i32
    %mul3A_568 = vector.broadcast %mul3A_567 : i32 to vector<128x50xi32>
    %mul3A_569 = arith.muli %select_n3A_566, %mul3A_568 : vector<128x50xi32>
    %add3A_570 = arith.addi %mul3A_545, %mul3A_569 : vector<128x50xi32>
    %swap3A = arith.constant 0 : index
    %swap3A_571 = arith.constant 0 : index
    %swap3A_572 = vector.load %arg4[%swap3A, %swap3A_571] : memref<128x50xi32, #tpu.memory_space<vmem>>, vector<128x50xi32>
    tpu.vector_store %arg4[%swap3A, %swap3A_571], %add3A_570 {strides = array<i32>} : memref<128x50xi32, #tpu.memory_space<vmem>>, vector<128x50xi32>,
    %iota3A_573 = tpu.iota {dimensions = array<i32: 2>} : vector<128x50x16xi32>
    %broadcast_in_dim3A_574 = vector.shape_cast %scan3A_17#1 : vector<128x50xi32> to vector<128x50x1xi32>
    %mul3A_575 = arith.constant 16 : i32
    %mul3A_576 = vector.broadcast %mul3A_575 : i32 to vector<128x50x1xi32>
    %mul3A_577 = arith.muli %broadcast_in_dim3A_574, %mul3A_576 : vector<128x50x1xi32>
    %add3A_578 = vector.broadcast %mul3A_577 : vector<128x50x1xi32> to vector<128x50x16xi32>
    %add3A_579 = arith.addi %add3A_578, %iota3A_573 : vector<128x50x16xi32>
    %reshape3A_580 = vector.shape_cast %add3A_579 : vector<128x50x16xi32> to vector<128x800xi32>
    %swap3A_581 = arith.constant 0 : index
    %swap3A_582 = arith.constant 0 : index
    %swap3A_583 = vector.load %arg3[%swap3A_581, %swap3A_582] : memref<128x800xi32, #tpu.memory_space<vmem>>, vector<128x800xi32>
    tpu.vector_store %arg3[%swap3A_581, %swap3A_582], %reshape3A_580 {strides = array<i32>} : memref<128x800xi32, #tpu.memory_space<vmem>>, vector<128x800xi32>,
    return
  }
  func.func @transform_0(%arg0: i32) -> (i32, i32) {
    %c0_i32 = arith.constant 0 : i32
    %c0_i32_0 = arith.constant 0 : i32
    return %arg0, %c0_i32 : i32, i32
  }
  func.func @transform_1(%arg0: i32) -> (i32, i32) {
    %c0_i32 = arith.constant 0 : i32
    %c0_i32_0 = arith.constant 0 : i32
    return %arg0, %c0_i32 : i32, i32
  }
  func.func @transform_2(%arg0: i32) -> (i32, i32) {
    %c0_i32 = arith.constant 0 : i32
    %c0_i32_0 = arith.constant 0 : i32
    return %arg0, %c0_i32 : i32, i32
  }
  func.func @transform_3(%arg0: i32) -> (i32, i32) {
    %c0_i32 = arith.constant 0 : i32
    %c0_i32_0 = arith.constant 0 : i32
    return %arg0, %c0_i32 : i32, i32
  }
}

module attributes {stable_mosaic.version = 14 : i64} {
  func.func @_k6_body(%arg0: i32, %arg1: memref<512x800xf32, #tpu.memory_space<vmem>>, %arg2: memref<512x50xi32, #tpu.memory_space<vmem>>, %arg3: memref<512x50xf32, #tpu.memory_space<vmem>>, %arg4: memref<512x50xi32, #tpu.memory_space<vmem>>) attributes {dimension_semantics = [#tpu.dimension_semantics<arbitrary>], iteration_bounds = array<i64: 8>, scalar_prefetch = 0 : i64, scratch_operands = 0 : i64, tpu.core_type = #tpu.core_type<tc>, window_params = [{transform_indices = @transform_0, window_bounds = array<i64: 512, 800>}, {transform_indices = @transform_1, window_bounds = array<i64: 512, 50>}, {transform_indices = @transform_2, window_bounds = array<i64: 512, 50>}, {transform_indices = @transform_3, window_bounds = array<i64: 512, 50>}]} {
    %get3A = arith.constant 0 : index
    %get3A_0 = arith.constant 0 : index
    %get3A_1 = vector.load %arg1[%get3A, %get3A_0] : memref<512x800xf32, #tpu.memory_space<vmem>>, vector<512x800xf32>
    %get3A_2 = arith.constant 0 : index
    %get3A_3 = arith.constant 0 : index
    %get3A_4 = vector.load %arg2[%get3A_2, %get3A_3] : memref<512x50xi32, #tpu.memory_space<vmem>>, vector<512x50xi32>
    %iota3A = tpu.iota {dimensions = array<i32: 2>} : vector<512x50x16xi32>
    %broadcast_in_dim3A = vector.shape_cast %get3A_4 : vector<512x50xi32> to vector<512x50x1xi32>
    %add3A = vector.broadcast %broadcast_in_dim3A : vector<512x50x1xi32> to vector<512x50x16xi32>
    %add3A_5 = arith.addi %add3A, %iota3A : vector<512x50x16xi32>
    %reshape3A = vector.shape_cast %add3A_5 : vector<512x50x16xi32> to vector<512x800xi32>
    %iota3A_6 = tpu.iota {dimensions = array<i32: 1>} : vector<512x50xi32>
    %broadcast_in_dim3A_7 = arith.constant 0.000000e+00 : f32
    %broadcast_in_dim3A_8 = vector.broadcast %broadcast_in_dim3A_7 : f32 to vector<512x50xf32>
    %broadcast_in_dim3A_9 = arith.constant 0 : i32
    %broadcast_in_dim3A_10 = vector.broadcast %broadcast_in_dim3A_9 : i32 to vector<512x50xi32>
    %scan3A = arith.constant 0 : i32
    %scan3A_11 = arith.constant 50 : i32
    %scan3A_12 = arith.addi %scan3A, %scan3A_11 : i32
    %scan3A_13 = arith.constant 1 : i32
    %scan3A_14:3 = scf.for %scan3A_21 = %scan3A to %scan3A_12 step %scan3A_13 iter_args(%scan3A_22 = %get3A_1, %scan3A_23 = %broadcast_in_dim3A_8, %scan3A_24 = %broadcast_in_dim3A_10) -> (vector<512x800xf32>, vector<512x50xf32>, vector<512x50xi32>)  : i32 {
      %reduce_max3A = arith.constant dense<0xFF800000> : vector<512xf32>
      %reduce_max3A_25 = vector.multi_reduction <maximumf>, %scan3A_22, %reduce_max3A [1] : vector<512x800xf32> to vector<512xf32>
      %broadcast_in_dim3A_26 = vector.shape_cast %reduce_max3A_25 : vector<512xf32> to vector<512x1xf32>
      %eq3A = vector.broadcast %broadcast_in_dim3A_26 : vector<512x1xf32> to vector<512x800xf32>
      %eq3A_27 = arith.cmpf oeq, %scan3A_22, %eq3A : vector<512x800xf32>
      %jit3A = arith.constant 2147483647 : i32
      %broadcast_in_dim3A_28 = vector.broadcast %jit3A : i32 to vector<512x800xi32>
      %select_n3A = arith.select %eq3A_27, %reshape3A, %broadcast_in_dim3A_28 : vector<512x800xi1>, vector<512x800xi32>
      %reduce_min3A = arith.constant dense<2147483647> : vector<512xi32>
      %reduce_min3A_29 = vector.multi_reduction <minsi>, %select_n3A, %reduce_min3A [1] : vector<512x800xi32> to vector<512xi32>
      %broadcast_in_dim3A_30 = vector.shape_cast %reduce_min3A_29 : vector<512xi32> to vector<512x1xi32>
      %eq3A_31 = vector.broadcast %scan3A_21 : i32 to vector<512x50xi32>
      %eq3A_32 = arith.cmpi eq, %iota3A_6, %eq3A_31 : vector<512x50xi32>
      %broadcast_in_dim3A_33 = vector.shape_cast %broadcast_in_dim3A_26 : vector<512x1xf32> to vector<512x1xf32>
      %broadcast_in_dim3A_34 = vector.broadcast %broadcast_in_dim3A_33 : vector<512x1xf32> to vector<512x50xf32>
      %select_n3A_35 = arith.select %eq3A_32, %broadcast_in_dim3A_34, %scan3A_23 : vector<512x50xi1>, vector<512x50xf32>
      %eq3A_36 = vector.broadcast %scan3A_21 : i32 to vector<512x50xi32>
      %eq3A_37 = arith.cmpi eq, %iota3A_6, %eq3A_36 : vector<512x50xi32>
      %broadcast_in_dim3A_38 = vector.shape_cast %broadcast_in_dim3A_30 : vector<512x1xi32> to vector<512x1xi32>
      %broadcast_in_dim3A_39 = vector.broadcast %broadcast_in_dim3A_38 : vector<512x1xi32> to vector<512x50xi32>
      %select_n3A_40 = arith.select %eq3A_37, %broadcast_in_dim3A_39, %scan3A_24 : vector<512x50xi1>, vector<512x50xi32>
      %eq3A_41 = vector.broadcast %broadcast_in_dim3A_26 : vector<512x1xf32> to vector<512x800xf32>
      %eq3A_42 = arith.cmpf oeq, %scan3A_22, %eq3A_41 : vector<512x800xf32>
      %eq3A_43 = vector.broadcast %broadcast_in_dim3A_30 : vector<512x1xi32> to vector<512x800xi32>
      %eq3A_44 = arith.cmpi eq, %reshape3A, %eq3A_43 : vector<512x800xi32>
      %and3A = arith.andi %eq3A_42, %eq3A_44 : vector<512x800xi1>
      %jit3A_45 = arith.constant 0xFF800000 : f32
      %broadcast_in_dim3A_46 = vector.broadcast %jit3A_45 : f32 to vector<512x800xf32>
      %select_n3A_47 = arith.select %and3A, %broadcast_in_dim3A_46, %scan3A_22 : vector<512x800xi1>, vector<512x800xf32>
      scf.yield %select_n3A_47, %select_n3A_35, %select_n3A_40 : vector<512x800xf32>, vector<512x50xf32>, vector<512x50xi32>
    }
    %scan3A_15 = arith.constant 50 : i32
    %swap3A = arith.constant 0 : index
    %swap3A_16 = arith.constant 0 : index
    %swap3A_17 = vector.load %arg3[%swap3A, %swap3A_16] : memref<512x50xf32, #tpu.memory_space<vmem>>, vector<512x50xf32>
    tpu.vector_store %arg3[%swap3A, %swap3A_16], %scan3A_14#1 {strides = array<i32>} : memref<512x50xf32, #tpu.memory_space<vmem>>, vector<512x50xf32>,
    %swap3A_18 = arith.constant 0 : index
    %swap3A_19 = arith.constant 0 : index
    %swap3A_20 = vector.load %arg4[%swap3A_18, %swap3A_19] : memref<512x50xi32, #tpu.memory_space<vmem>>, vector<512x50xi32>
    tpu.vector_store %arg4[%swap3A_18, %swap3A_19], %scan3A_14#2 {strides = array<i32>} : memref<512x50xi32, #tpu.memory_space<vmem>>, vector<512x50xi32>,
    return
  }
  func.func @transform_0(%arg0: i32) -> (i32, i32) {
    %c0_i32 = arith.constant 0 : i32
    %c0_i32_0 = arith.constant 0 : i32
    return %arg0, %c0_i32 : i32, i32
  }
  func.func @transform_1(%arg0: i32) -> (i32, i32) {
    %c0_i32 = arith.constant 0 : i32
    %c0_i32_0 = arith.constant 0 : i32
    return %arg0, %c0_i32 : i32, i32
  }
  func.func @transform_2(%arg0: i32) -> (i32, i32) {
    %c0_i32 = arith.constant 0 : i32
    %c0_i32_0 = arith.constant 0 : i32
    return %arg0, %c0_i32 : i32, i32
  }
  func.func @transform_3(%arg0: i32) -> (i32, i32) {
    %c0_i32 = arith.constant 0 : i32
    %c0_i32_0 = arith.constant 0 : i32
    return %arg0, %c0_i32 : i32, i32
  }
}

</mosaic_0001>

<sc_bundles>
// kernel: kernel.11.cloned.1.call-start
scs
__scs_entry_jumppad:
0x0: {  	(pc) =	sbr.rel $0x88, $3  }
0x1: {  	(tag) =	ssettag $0x0;
	lr =	simm.s32 $0x1  }
0x2: {  	[smem:$0x3F9F] =	sst lr;
	_ =	strace $0xD0000000  }
0x3: {  	_ = 	snop  }
0x4: {  	_ = 	snop  }
0x5: {  	_ = 	snop  }
0x6: {  	_ = 	snop  }
0x7: {  	_ = 	snop  }
__scs_overlays_trampoline_lowered:
0x8: {  	[smem:$0x3FAE] =	sst s0  }
0x9: {  	[smem:$0x3FAF] =	sst s1  }
0xa: {  	[smem:$0x3FB0] =	sst s2  }
0xb: {  	[smem:$0x3FB1] =	sst s3  }
0xc: {  	[smem:$0x3FB2] =	sst s4  }
0xd: {  	[smem:$0x3FB3] =	sst s5  }
0xe: {  	[smem:$0x3FB4] =	sst s6  }
0xf: {  	[smem:$0x3FB5] =	sst s7  }
0x10: {  	[smem:$0x3FB6] =	sst s8  }
0x11: {  	[smem:$0x3FB7] =	sst s9;
	s0 =	simm.s32 @!p0 $0x0  }
0x12: {  	s1 =	sld [smem:$0x3F9D];
	s0 =	simm.s32 @p0 $0x1  }
0x13: {  	[smem:$0x3FB8] =	sst s0;
	s0 =	simm.s32 @!p1 $0x0  }
0x14: {  	s2 =	sld [smem:$0x3F9C];
	s0 =	simm.s32 @p1 $0x1  }
0x15: {  	[smem:$0x3FB9] =	sst s0;
	s0 =	simm.s32 @!p2 $0x0  }
0x16: {  	s3 =	sld [smem:$0x3FDB];
	s0 =	simm.s32 @p2 $0x1  }
0x17: {  	s4 =	simm.s32 $0x1BF5;
	[smem:$0x3FBB] =	sst s0  }
0x18: {  	s0 =	sld [smem:$0x3F9E];
	_ =	swait.ge [sflag:s4], $0x0  }
0x19: {  	s7 =	sld [smem:$0x3F9F]  }
0x1a: {  	s8 =	sadd.s32 $0xFFFFE003, lr  }
0x1b: {  	s9 =	sadd.s32 $0xFFFFFEF7, lr;
	s5 =	simm.s32 $0xFFFFFFFF;
	p2 =	slt.u32 s8, $0xFFFFF086  }
0x1c: {  	p1 =	slt.u32 s9, $0xF7A;
	s5 =	simm.s32 @!p2 $0x0  }
0x1d: {  	s5 =	simm.s32 @p1 $0x1;
	p0 =	seq.s32 s7, s2  }
0x1e: {  	s7 =	smul.u32 @!p0 $0xF7A, s2;
	p2 =	seq.s32 @!p0 s5, $0x0  }
0x1f: {  	s9 =	smul.u32 $0xF7A, s1;
	s8 =	simm.s32 @!p0 $0x1BF5;
	p2 =	por !p2, p0  }
0x20: {  	[sflag:s8] =	ssyncset.s32 @!p0 $0xFFFFF086;
	s6 =	sadd.s32 @!p0 s3, s7;
	s7 =	simm.s32 @!p0 $0x108  }
0x21: {  	s3 =	sadd.s32 s3, s9;
	s6 =	sadd.s32 @!p0 $0x88, s6;
	s7 =	simm.s32 @p2 $0x1082  }
0x22: {  	[simem:s7], [sflag:s8] =	dma.local @!p0 [hbm:s6], $0xF7A  }
0x23: {  	s9 =	sor.u32 $0xD0000000, s2;
	s6 =	simm.s32 $0x108;
	_ =	swait.ge @!p0 [sflag:s8], $0x0  }
0x24: {  	s3 =	sadd.s32 $0x88, s3;
	s6 =	simm.s32 @!p1 $0x1082;
	[sflag:s4] =	ssyncset.s32 $0xFFFFF086  }
0x25: {  	[simem:s6], [sflag:s4] =	dma.local [hbm:s3], $0xF7A  }
0x26: {  	[smem:$0x3F9F] =	sst s1;
	(tag) =	ssettag s2;
	_ =	strace s9  }
0x27: {  	s1 =	sld [smem:$0x3FAF]  }
0x28: {  	s2 =	sld [smem:$0x3FB0]  }
0x29: {  	s4 =	sld [smem:$0x3FB2]  }
0x2a: {  	p0 =	seq.s32 s5, $0x0;
	s5 =	sld [smem:$0x3FB3]  }
0x2b: {  	s6 =	sld [smem:$0x3FB4]  }
0x2c: {  	s7 =	sld [smem:$0x3FB5]  }
0x2d: {  	s3 =	simm.s32 $0x108;
	s8 =	sld [smem:$0x3FB6]  }
0x2e: {  	s3 =	simm.s32 @!p0 $0x1082;
	s9 =	sld [smem:$0x3FB7]  }
0x2f: {  	lr =	sadd.s32 s0, s3;
	s0 =	sld [smem:$0x3FAE]  }
0x30: {  	s3 =	sld [smem:$0x3FB1]  }
0x31: {  	[smem:$0x3FBA] =	sst s10  }
0x32: {  	s10 =	sld [smem:$0x3FB8];
	_ =	sdelay $0x3  }
0x33: {  	p0 =	seq.s32 s10, $0x1;
	s10 =	sld [smem:$0x3FBA];
	_ =	sdelay $0x3  }
0x34: {  	[smem:$0x3FBA] =	sst s10  }
0x35: {  	s10 =	sld [smem:$0x3FB9];
	_ =	sdelay $0x3  }
0x36: {  	p1 =	seq.s32 s10, $0x1;
	s10 =	sld [smem:$0x3FBA];
	_ =	sdelay $0x3  }
0x37: {  	[smem:$0x3FBA] =	sst s10  }
0x38: {  	s10 =	sld [smem:$0x3FBB]  }
0x39: {  	_ = 	snop;
	(pc) =	sbr.ind lr, $3  }
0x3a: {  	_ = 	snop  }
0x3b: {  	_ = 	snop  }
0x3c: {  	p2 =	seq.s32 s10, $0x1;
	s10 =	sld [smem:$0x3FBA]  }
0x3d: {  	_ =	shalt  }
0x3e: {  	_ =	shalt  }
0x3f: {  	_ =	shalt  }
0x40: {  	_ =	shalt  }
0x41: {  	_ =	shalt  }
0x42: {  	_ =	shalt  }
0x43: {  	_ =	shalt  }
0x44: {  	_ =	shalt  }
0x45: {  	_ =	shalt  }
0x46: {  	_ =	shalt  }
0x47: {  	_ =	shalt  }
0x48: {  	_ =	shalt  }
0x49: {  	_ =	shalt  }
0x4a: {  	_ =	shalt  }
0x4b: {  	_ =	shalt  }
0x4c: {  	_ =	shalt  }
0x4d: {  	_ =	shalt  }
0x4e: {  	_ =	shalt  }
0x4f: {  	_ =	shalt  }
0x50: {  	_ =	shalt  }
0x51: {  	_ =	shalt  }
0x52: {  	_ =	shalt  }
0x53: {  	_ =	shalt  }
0x54: {  	_ =	shalt  }
0x55: {  	_ =	shalt  }
0x56: {  	_ =	shalt  }
0x57: {  	_ =	shalt  }
0x58: {  	_ =	shalt  }
0x59: {  	_ =	shalt  }
0x5a: {  	_ =	shalt  }
0x5b: {  	_ =	shalt  }
0x5c: {  	_ =	shalt  }
0x5d: {  	_ =	shalt  }
0x5e: {  	_ =	shalt  }
0x5f: {  	_ =	shalt  }
0x60: {  	_ =	shalt  }
0x61: {  	_ =	shalt  }
0x62: {  	_ =	shalt  }
0x63: {  	_ =	shalt  }
0x64: {  	_ =	shalt  }
0x65: {  	_ =	shalt  }
0x66: {  	_ =	shalt  }
0x67: {  	_ =	shalt  }
0x68: {  	_ =	shalt  }
0x69: {  	_ =	shalt  }
0x6a: {  	_ =	shalt  }
0x6b: {  	_ =	shalt  }
0x6c: {  	_ =	shalt  }
0x6d: {  	_ =	shalt  }
0x6e: {  	_ =	shalt  }
0x6f: {  	_ =	shalt  }
0x70: {  	_ =	shalt  }
0x71: {  	_ =	shalt  }
0x72: {  	_ =	shalt  }
0x73: {  	_ =	shalt  }
0x74: {  	_ =	shalt  }
0x75: {  	_ =	shalt  }
0x76: {  	_ =	shalt  }
0x77: {  	_ =	shalt  }
0x78: {  	_ =	shalt  }
0x79: {  	_ =	shalt  }
0x7a: {  	_ =	shalt  }
0x7b: {  	_ =	shalt  }
0x7c: {  	_ =	shalt  }
0x7d: {  	_ =	shalt  }
0x7e: {  	_ =	shalt  }
0x7f: {  	_ =	shalt  }
0x80: {  	_ =	shalt  }
0x81: {  	_ =	shalt  }
0x82: {  	_ =	shalt  }
0x83: {  	_ =	shalt  }
0x84: {  	_ =	shalt  }
0x85: {  	_ =	shalt  }
0x86: {  	_ =	shalt  }
0x87: {  	_ =	shalt  }
.Lfunc_end0:
.L_simem_size_0:
called_computation.1_lowered:
.L_overlay_start_0:
0x88: {  	s2 =	sld [smem:$0x3FD9]  }
0x89: {  	s3 =	sld [smem:$0x3FFE];
	_ =	sdelay $0x1  }
0x8a: {  	s1 =	srdreg.scid  }
0x8b: {  	s0 =	sand.u32 $0x1, s1  }
0x8c: {  	s16 =	sshll.u32 s0, $0xA;
	s2 =	sadd.s32 s3, s2  }
0x8d: {  	s2 =	sadd.s32 s2, s16  }
0x8e: {  	[smem:$0x3FC6] =	sst s2  }
0x8f: {  	_ = 	snop  }
0x90: {  	(tm) =	ssettm $0x1  }
0x91: {  	s17 =	sld [smem:$0x3FFB];
	_ =	sdelay $0x3  }
0x92: {  	_ =	strace s17  }
0x93: {  	s2 =	sld [smem:$0x3FFC];
	_ =	sdelay $0x3  }
0x94: {  	_ =	strace s2  }
0x95: {  	s2 =	sld [smem:$0x3FFD];
	_ =	sdelay $0x3  }
0x96: {  	_ =	strace s2  }
0x97: {  	_ =	strace $0x8FFFFFFF  }
0x98: {  	s18 =	sld [smem:$0x3FDB];
	_ =	sdelay $0x1  }
0x99: {  	s19 =	simm.s32 $_scs_section_size  }
0x9a: {  	s4 =	simm.s32 $_size__tile_overlayer_lowered;
	s5 =	simm.s32 $_tile_overlayer_lowered  }
0x9b: {  	s22 =	simm.s32 $0x1BFF;
	s21 =	sshll.u32 s5, $0x1;
	s2 =	sadd.s32 s19, s18  }
0x9c: {  	s6 =	simm.s32 $0x0;
	s20 =	sshll.u32 s4, $0x1;
	s4 =	sadd.s32 s21, s2  }
0x9d: {  	[timem:s6], [sflag:s22] =	dma.local [hbm:s4], s20  }
0x9e: {  	_ =	swait.ge [sflag:s22], s20  }
0x9f: {  	s3 =	ssub.s32 $0x0, s20;
	[sflag:s22] =	ssyncset.done $0x0  }
0xa0: {  	[sflag:s22] =	ssyncadd.s32 s3;
	_ =	sdelay $0x1  }
0xa1: {  	s23 =	simm.s32 $0x1B8B  }
0xa2: {  	_ =	swait.ge [sflag:s23], $0x1  }
0xa3: {  	[sflag:s23] =	ssyncset.done $0x0  }
0xa4: {  	s25 =	simm.s32 $0x1B8E;
	s24 =	sld [smem:$0x3FFE];
	[sflag:s23] =	ssyncadd.s32 $0xFFFFFFFF  }
0xa5: {  	s26 =	simm.s32 $execute0_lowered;
	[smem:$0x3FD2] =	sst s25  }
0xa6: {  	s4 =	sshll.u32 s26, $0x1;
	_ =	strace $0x80000049;
	[dreg:$0x1] =	wrdreg $0xFFFFFFFF  }
0xa7: {  	s28 =	simm.s32 $_size_execute0_lowered;
	s2 =	sadd.s32 s2, s4;
	[dreg:$0x0] =	wrdreg $0x0  }
0xa8: {  	s4 =	sshll.u32 s28, $0x1;
	[dreg:$0x2] =	wrdreg s2  }
0xa9: {  	[dreg:$0x3] =	wrdreg s4  }
0xaa: {  	[dreg:$0x4] =	wrdreg $0xC0  }
0xab: {  	_ =	task [dreg:s6], $0x5FFFF  }
0xac: {  	[dreg:$0x1] =	wrdreg $0xFFFFFFFF  }
0xad: {  	[dreg:$0x0] =	wrdreg $0x60  }
0xae: {  	[dreg:$0x2] =	wrdreg s24  }
0xaf: {  	[dreg:$0x3] =	wrdreg $0x9  }
0xb0: {  	_ =	task.clear_ibuf [dreg:s6], $0x4FFFF;
	_ =	strace $0x90000049  }
0xb1: {  	s29 =	simm.s32 $0x9;
	_ =	strace $0x8000004B  }
0xb2: {  	_ =	swait.ge [sflag:s29], $0x1  }
0xb3: {  	[sflag:s29] =	ssyncadd.s32 $0xFFFFFFFF  }
0xb4: {  	_ =	strace $0x9000004B  }
0xb5: {  	_ =	sfence  }
0xb6: {  	s30 =	sld [smem:$0x0];
	_ =	sdelay $0x2  }
0xb7: {  	s31 =	sshll.u32 s1, $0xD;
	s1 =	sshrl.u32 s1, $0x2  }
0xb8: {  	s3 =	sand.u32 $0x4000, s31;
	s1 =	sadd.s32 s1, s30  }
0xb9: {  	s0 =	sor.u32 s3, s0;
	s1 =	sshll.u32 s1, $0x11  }
0xba: {  	s0 =	sor.u32 s1, s0  }
0xbb: {  	s0 =	sadd.s32 $0x8F2B, s0  }
0xbc: {  	[sflag:s0] =	ssyncadd.remote.s32 $0x1  }
0xbd: {  	_ =	sfence.sel $0xFFFF  }
0xbe: {  	[dreg:$0x0] =	wrdreg $0xFFFFFFFF;
	(pc) =	sbr.abs _section_cstart, $3  }
0xbf: {  	[dreg:$0x1] =	wrdreg $0xFFFFFFFF  }
0xc0: {  	_ =	task.clear_ibuf [dreg:s6], $0x2FFFF;
	_ =	strace $0x9FFFFFFF  }
0xc1: {  	(tm) =	ssettm $0x7FFFFFFF  }
tec
execute0_lowered:
.L_overlay_start_1:
0x0: {  	(tag) =	ssettag $0x1  }
0x1: {  	s2 =	rddreg [dreg:$0x0]  }
0x2: {  	s0 =	rddreg [dreg:$0x1];
	s1 =	simm.s32 $0x0;
	s3 =	srdreg.scid  }
0x3: {  	s9 =	simm.s32 $0x1900;
	s10 =	simm.s32 $0x1C80;
	s11 =	simm.s32 $0x0  }
0x4: {  	[smem:$0x7FF] =	sst s1;
	s6 =	sand.u32 $0x1, s3;
	s3 =	sadd.s32 $0x11600, s2  }
0x5: {  	s4 =	sadd.s32 $0x331600, s2;
	s5 =	sadd.s32 $0x395600, s2;
	s7 =	ssub.s32 $0x2, s6  }
0x6: {  	s2 =	stileid.u32;
	_ =	strace $0x8000004A;
	s8 =	sshrl.u32 s7, $0x1  }
0x7: {  	s31 =	sshll.u32 s2, $0x8;
	s6 =	sshll.u32 s6, $0x7;
	s7 =	ssub.s32 s7, s8  }
0x8: {  	s6 =	sor.u32 s6, s31;
	s8 =	simm.s32 $0x1;
	s7 =	smax.u32 s7, $0x1  }
.LBB2_1:
0x9: {  	s12 =	simm.s32 $0x0  }
.LBB2_2:
0xa: {  	s13 =	sadd.s32 s6, s12  }
0xb: {  	s14 =	smul.u32 $0x320, s13;
	_ =	sdelay $0x1  }
0xc: {  	s15 =	simm.s32 $0x0;
	s14 =	sadd.s32 s3, s14  }
0xd: {  	[tilespmem:s15], [sflag:$0x1] =	stream.linear.gather [hbm4b:s14+s15], $0x1900, $0x38;
	[tilespmem:$0x2000] =	vst v63  }
0xe: {  	s13 =	smul.u32 $0x64, s13;
	_ =	swait.ge [sflag:s8], $0x1900  }
0xf: {  	[sflag:s8] =	ssyncset.done $0x0  }
0x10: {  	s31 =	sadd.s32 s4, s13;
	[sflag:s8] =	ssyncadd.s32 $0xFFFFE700  }
0x11: {  	[tilespmem:s9], [sflag:$0x1] =	stream.linear.gather [hbm4b:s31+s15], $0x320, $0x38;
	[tilespmem:$0x2000] =	vst v63  }
0x12: {  	_ =	swait.ge [sflag:s8], $0x320  }
0x13: {  	[sflag:s8] =	ssyncset.done $0x0  }
0x14: {  	s14 =	simm.s32 $0x0;
	[sflag:s8] =	ssyncadd.s32 $0xFFFFFCE0  }
0x15: {  	v0 =	vld [tilespmem:s14+$0x1900];
	_ =	sdelay $0x7  }
0x16: {  	s16 =	simm.s32 $0x80;
	s15 =	simm.s32 $0x10;
	v0 =	vld.idx.msk [tilespmem:v0+s1+$0x0], $0xffff  }
.LBB2_3:
0x17: {  	p0 =	sne.s32 s16, $0xC40;
	v1 =	vld [tilespmem:s15+$0x1900];
	_ =	sdelay $0x3  }
.Ltmp0:
0x18: {  	(pc) =	sbr.rel @p0 .LBB2_3-.Ltmp0, $2  }
0x19: {  	[tilespmem:s14+$0x1C80] =	vst v0;
	s14 =	smov.u32 s15;
	_ =	sdelay $0x2  }
0x1a: {  	s15 =	sshra.s32 s16, $0x2;
	s16 =	sadd.s32 $0x40, s16;
	v0 =	vld.idx.msk [tilespmem:v1+s1+$0x0], $0xffff  }
0x1b: {  	v1 =	vld [tilespmem:s15+$0x1900];
	_ =	sdelay $0x6  }
0x1c: {  	[tilespmem:s14+$0x1C80] =	vst v0  }
0x1d: {  	v0 =	vld.idx.msk [tilespmem:v1+s1+$0x0], $0xffff;
	_ =	sdelay $0x2  }
0x1e: {  	s12 =	sadd.s32 $0x1, s12  }
0x1f: {  	p0 =	sne.s32 s12, $0x80  }
.Ltmp1:
0x20: {  	s13 =	sadd.s32 s5, s13;
	[tilespmem:s15+$0x1C80] =	vst v0;
	(pc) =	sbr.rel @p0 .LBB2_2-.Ltmp1, $4  }
0x21: {  	[hbm4b:s13+s1] =	stream.linear.scatter [tilespmem:s10], [sflag:$0x1], $0x320, $0x38;
	[tilespmem:$0x2000] =	vst v63  }
0x22: {  	_ =	swait.ge [sflag:s8], $0x320  }
0x23: {  	[sflag:s8] =	ssyncset.done $0x0  }
0x24: {  	[sflag:s8] =	ssyncadd.s32 $0xFFFFFCE0  }
0x25: {  	s11 =	sadd.s32 $0x1, s11  }
0x26: {  	p0 =	sne.s32 s11, s7  }
.Ltmp2:
0x27: {  	_ = 	snop;
	(pc) =	sbr.rel @p0 .LBB2_1-.Ltmp2, $1  }
0x28: {  	_ =	sdelay $0x3  }
0x29: {  	_ =	sfence.sel $0x180000  }
0x2a: {  	[bflag:$0x0] =	sbarrier.arrive $0xFFFF  }
0x2b: {  	p0 =	sne.s32 s2, $0x0;
	_ =	strace $0x9000004A  }
0x2c: {  	s0 =	sadd.s32 @!p0 $0x100000, s0;
	[bflag:$0x2] =	sbarrier.arrive $0xFFFF  }
0x2d: {  	[sflag:s0] =	ssyncadd.tile.s32 @!p0 $0x1;
	_ =	shalt  }
.Lfunc_end2:
_tile_overlayer_lowered:
.L_overlay_start_2:
0x2e: {  	(tag) =	ssettag $0x2  }
0x2f: {  	s0 =	rddreg [dreg:$0x0];
	s2 =	stileid.u32  }
0x30: {  	s1 =	rddreg [dreg:$0x1];
	p0 =	sne.s32 s2, $0x0  }
0x31: {  	s3 =	rddreg [dreg:$0x2];
	[bflag:$0x3] =	sbarrier.arrive $0xFFFF;
	s2 =	simm.s32 @!p0 $0x1C01  }
0x32: {  	[timem:s3], [sflag:s2] =	dma.local @!p0 [hbm:s0], s1  }
0x33: {  	s0 =	simm.s32 @!p0 $0x1  }
0x34: {  	_ =	swait.ge @!p0 [sflag:s0], s1  }
0x35: {  	s1 =	ssub.s32 @!p0 $0x0, s1;
	[sflag:s0] =	ssyncset.done @!p0 $0x0  }
0x36: {  	[sflag:s0] =	ssyncadd.s32 @!p0 s1  }
0x37: {  	[bflag:$0x3] =	sbarrier.arrive $0xFFFF  }
0x38: {  	_ =	shalt  }

// kernel: kernel.8.cloned.1.call-start
scs
__scs_entry_jumppad:
0x0: {  	(pc) =	sbr.rel $0x88, $3  }
0x1: {  	(tag) =	ssettag $0x0;
	lr =	simm.s32 $0x1  }
0x2: {  	[smem:$0x3F9F] =	sst lr;
	_ =	strace $0xD0000000  }
0x3: {  	_ = 	snop  }
0x4: {  	_ = 	snop  }
0x5: {  	_ = 	snop  }
0x6: {  	_ = 	snop  }
0x7: {  	_ = 	snop  }
__scs_overlays_trampoline_lowered:
0x8: {  	[smem:$0x3FAE] =	sst s0  }
0x9: {  	[smem:$0x3FAF] =	sst s1  }
0xa: {  	[smem:$0x3FB0] =	sst s2  }
0xb: {  	[smem:$0x3FB1] =	sst s3  }
0xc: {  	[smem:$0x3FB2] =	sst s4  }
0xd: {  	[smem:$0x3FB3] =	sst s5  }
0xe: {  	[smem:$0x3FB4] =	sst s6  }
0xf: {  	[smem:$0x3FB5] =	sst s7  }
0x10: {  	[smem:$0x3FB6] =	sst s8  }
0x11: {  	[smem:$0x3FB7] =	sst s9;
	s0 =	simm.s32 @!p0 $0x0  }
0x12: {  	s1 =	sld [smem:$0x3F9D];
	s0 =	simm.s32 @p0 $0x1  }
0x13: {  	[smem:$0x3FB8] =	sst s0;
	s0 =	simm.s32 @!p1 $0x0  }
0x14: {  	s2 =	sld [smem:$0x3F9C];
	s0 =	simm.s32 @p1 $0x1  }
0x15: {  	[smem:$0x3FB9] =	sst s0;
	s0 =	simm.s32 @!p2 $0x0  }
0x16: {  	s3 =	sld [smem:$0x3FDB];
	s0 =	simm.s32 @p2 $0x1  }
0x17: {  	s4 =	simm.s32 $0x1BF5;
	[smem:$0x3FBB] =	sst s0  }
0x18: {  	s0 =	sld [smem:$0x3F9E];
	_ =	swait.ge [sflag:s4], $0x0  }
0x19: {  	s7 =	sld [smem:$0x3F9F]  }
0x1a: {  	s8 =	sadd.s32 $0xFFFFE003, lr  }
0x1b: {  	s9 =	sadd.s32 $0xFFFFFEF7, lr;
	s5 =	simm.s32 $0xFFFFFFFF;
	p2 =	slt.u32 s8, $0xFFFFF086  }
0x1c: {  	p1 =	slt.u32 s9, $0xF7A;
	s5 =	simm.s32 @!p2 $0x0  }
0x1d: {  	s5 =	simm.s32 @p1 $0x1;
	p0 =	seq.s32 s7, s2  }
0x1e: {  	s7 =	smul.u32 @!p0 $0xF7A, s2;
	p2 =	seq.s32 @!p0 s5, $0x0  }
0x1f: {  	s9 =	smul.u32 $0xF7A, s1;
	s8 =	simm.s32 @!p0 $0x1BF5;
	p2 =	por !p2, p0  }
0x20: {  	[sflag:s8] =	ssyncset.s32 @!p0 $0xFFFFF086;
	s6 =	sadd.s32 @!p0 s3, s7;
	s7 =	simm.s32 @!p0 $0x108  }
0x21: {  	s3 =	sadd.s32 s3, s9;
	s6 =	sadd.s32 @!p0 $0x88, s6;
	s7 =	simm.s32 @p2 $0x1082  }
0x22: {  	[simem:s7], [sflag:s8] =	dma.local @!p0 [hbm:s6], $0xF7A  }
0x23: {  	s9 =	sor.u32 $0xD0000000, s2;
	s6 =	simm.s32 $0x108;
	_ =	swait.ge @!p0 [sflag:s8], $0x0  }
0x24: {  	s3 =	sadd.s32 $0x88, s3;
	s6 =	simm.s32 @!p1 $0x1082;
	[sflag:s4] =	ssyncset.s32 $0xFFFFF086  }
0x25: {  	[simem:s6], [sflag:s4] =	dma.local [hbm:s3], $0xF7A  }
0x26: {  	[smem:$0x3F9F] =	sst s1;
	(tag) =	ssettag s2;
	_ =	strace s9  }
0x27: {  	s1 =	sld [smem:$0x3FAF]  }
0x28: {  	s2 =	sld [smem:$0x3FB0]  }
0x29: {  	s4 =	sld [smem:$0x3FB2]  }
0x2a: {  	p0 =	seq.s32 s5, $0x0;
	s5 =	sld [smem:$0x3FB3]  }
0x2b: {  	s6 =	sld [smem:$0x3FB4]  }
0x2c: {  	s7 =	sld [smem:$0x3FB5]  }
0x2d: {  	s3 =	simm.s32 $0x108;
	s8 =	sld [smem:$0x3FB6]  }
0x2e: {  	s3 =	simm.s32 @!p0 $0x1082;
	s9 =	sld [smem:$0x3FB7]  }
0x2f: {  	lr =	sadd.s32 s0, s3;
	s0 =	sld [smem:$0x3FAE]  }
0x30: {  	s3 =	sld [smem:$0x3FB1]  }
0x31: {  	[smem:$0x3FBA] =	sst s10  }
0x32: {  	s10 =	sld [smem:$0x3FB8];
	_ =	sdelay $0x3  }
0x33: {  	p0 =	seq.s32 s10, $0x1;
	s10 =	sld [smem:$0x3FBA];
	_ =	sdelay $0x3  }
0x34: {  	[smem:$0x3FBA] =	sst s10  }
0x35: {  	s10 =	sld [smem:$0x3FB9];
	_ =	sdelay $0x3  }
0x36: {  	p1 =	seq.s32 s10, $0x1;
	s10 =	sld [smem:$0x3FBA];
	_ =	sdelay $0x3  }
0x37: {  	[smem:$0x3FBA] =	sst s10  }
0x38: {  	s10 =	sld [smem:$0x3FBB]  }
0x39: {  	_ = 	snop;
	(pc) =	sbr.ind lr, $3  }
0x3a: {  	_ = 	snop  }
0x3b: {  	_ = 	snop  }
0x3c: {  	p2 =	seq.s32 s10, $0x1;
	s10 =	sld [smem:$0x3FBA]  }
0x3d: {  	_ =	shalt  }
0x3e: {  	_ =	shalt  }
0x3f: {  	_ =	shalt  }
0x40: {  	_ =	shalt  }
0x41: {  	_ =	shalt  }
0x42: {  	_ =	shalt  }
0x43: {  	_ =	shalt  }
0x44: {  	_ =	shalt  }
0x45: {  	_ =	shalt  }
0x46: {  	_ =	shalt  }
0x47: {  	_ =	shalt  }
0x48: {  	_ =	shalt  }
0x49: {  	_ =	shalt  }
0x4a: {  	_ =	shalt  }
0x4b: {  	_ =	shalt  }
0x4c: {  	_ =	shalt  }
0x4d: {  	_ =	shalt  }
0x4e: {  	_ =	shalt  }
0x4f: {  	_ =	shalt  }
0x50: {  	_ =	shalt  }
0x51: {  	_ =	shalt  }
0x52: {  	_ =	shalt  }
0x53: {  	_ =	shalt  }
0x54: {  	_ =	shalt  }
0x55: {  	_ =	shalt  }
0x56: {  	_ =	shalt  }
0x57: {  	_ =	shalt  }
0x58: {  	_ =	shalt  }
0x59: {  	_ =	shalt  }
0x5a: {  	_ =	shalt  }
0x5b: {  	_ =	shalt  }
0x5c: {  	_ =	shalt  }
0x5d: {  	_ =	shalt  }
0x5e: {  	_ =	shalt  }
0x5f: {  	_ =	shalt  }
0x60: {  	_ =	shalt  }
0x61: {  	_ =	shalt  }
0x62: {  	_ =	shalt  }
0x63: {  	_ =	shalt  }
0x64: {  	_ =	shalt  }
0x65: {  	_ =	shalt  }
0x66: {  	_ =	shalt  }
0x67: {  	_ =	shalt  }
0x68: {  	_ =	shalt  }
0x69: {  	_ =	shalt  }
0x6a: {  	_ =	shalt  }
0x6b: {  	_ =	shalt  }
0x6c: {  	_ =	shalt  }
0x6d: {  	_ =	shalt  }
0x6e: {  	_ =	shalt  }
0x6f: {  	_ =	shalt  }
0x70: {  	_ =	shalt  }
0x71: {  	_ =	shalt  }
0x72: {  	_ =	shalt  }
0x73: {  	_ =	shalt  }
0x74: {  	_ =	shalt  }
0x75: {  	_ =	shalt  }
0x76: {  	_ =	shalt  }
0x77: {  	_ =	shalt  }
0x78: {  	_ =	shalt  }
0x79: {  	_ =	shalt  }
0x7a: {  	_ =	shalt  }
0x7b: {  	_ =	shalt  }
0x7c: {  	_ =	shalt  }
0x7d: {  	_ =	shalt  }
0x7e: {  	_ =	shalt  }
0x7f: {  	_ =	shalt  }
0x80: {  	_ =	shalt  }
0x81: {  	_ =	shalt  }
0x82: {  	_ =	shalt  }
0x83: {  	_ =	shalt  }
0x84: {  	_ =	shalt  }
0x85: {  	_ =	shalt  }
0x86: {  	_ =	shalt  }
0x87: {  	_ =	shalt  }
.Lfunc_end0:
.L_simem_size_0:
called_computation_lowered:
.L_overlay_start_0:
0x88: {  	s2 =	sld [smem:$0x3FD9]  }
0x89: {  	s3 =	sld [smem:$0x3FFE];
	_ =	sdelay $0x1  }
0x8a: {  	s1 =	srdreg.scid  }
0x8b: {  	s0 =	sand.u32 $0x1, s1  }
0x8c: {  	s14 =	sshll.u32 s0, $0xA;
	s2 =	sadd.s32 s3, s2  }
0x8d: {  	s2 =	sadd.s32 s2, s14  }
0x8e: {  	[smem:$0x3FC6] =	sst s2  }
0x8f: {  	_ = 	snop  }
0x90: {  	s2 =	sld [smem:$0x3FD0];
	_ =	sdelay $0x2  }
0x91: {  	s15 =	simm.s32 $0xA;
	s4 =	simm.s32 $0x10  }
0x92: {  	[smem:s4], [sflag:s15] =	dma.local [hbm:s2], $0x1  }
0x93: {  	_ =	swait.eq [sflag:s15], $0x1  }
0x94: {  	[sflag:s15] =	ssyncset.done $0x0  }
0x95: {  	[sflag:s15] =	ssyncadd.s32 $0xFFFFFFFF  }
0x96: {  	s16 =	sld [smem:$0x11];
	(tm) =	ssettm $0x1  }
0x97: {  	s17 =	sld [smem:$0x3FFB];
	_ =	sdelay $0x3  }
0x98: {  	_ =	strace s17  }
0x99: {  	s3 =	sld [smem:$0x3FFC];
	_ =	sdelay $0x3  }
0x9a: {  	_ =	strace s3  }
0x9b: {  	s3 =	sld [smem:$0x3FFD];
	_ =	sdelay $0x3  }
0x9c: {  	_ =	strace s3  }
0x9d: {  	_ =	strace $0x8FFFFFFF  }
0x9e: {  	s18 =	sld [smem:$0x3FDB];
	_ =	sdelay $0x1  }
0x9f: {  	s19 =	simm.s32 $_scs_section_size  }
0xa0: {  	s5 =	simm.s32 $_size__tile_overlayer_lowered;
	s6 =	simm.s32 $_tile_overlayer_lowered  }
0xa1: {  	s22 =	simm.s32 $0x1BFF;
	s21 =	sshll.u32 s6, $0x1;
	s3 =	sadd.s32 s19, s18  }
0xa2: {  	s7 =	simm.s32 $0x0;
	s20 =	sshll.u32 s5, $0x1;
	s5 =	sadd.s32 s21, s3  }
0xa3: {  	[timem:s7], [sflag:s22] =	dma.local [hbm:s5], s20  }
0xa4: {  	_ =	swait.ge [sflag:s22], s20  }
0xa5: {  	s4 =	ssub.s32 $0x0, s20;
	[sflag:s22] =	ssyncset.done $0x0  }
0xa6: {  	[sflag:s22] =	ssyncadd.s32 s4;
	_ =	sdelay $0x1  }
0xa7: {  	s23 =	simm.s32 $0x1B8B  }
0xa8: {  	_ =	swait.ge [sflag:s23], $0x1  }
0xa9: {  	[sflag:s23] =	ssyncset.done $0x0  }
0xaa: {  	s25 =	simm.s32 $0x1B8E;
	s24 =	sld [smem:$0x3FFE];
	[sflag:s23] =	ssyncadd.s32 $0xFFFFFFFF  }
0xab: {  	s26 =	simm.s32 $execute0_lowered;
	[smem:$0x3FD2] =	sst s25  }
0xac: {  	s5 =	sshll.u32 s26, $0x1;
	_ =	strace $0x80000046;
	[dreg:$0x1] =	wrdreg $0xFFFFFFFF  }
0xad: {  	s28 =	simm.s32 $_size_execute0_lowered;
	s3 =	sadd.s32 s3, s5;
	[dreg:$0x0] =	wrdreg $0x0  }
0xae: {  	s5 =	sshll.u32 s28, $0x1;
	[dreg:$0x2] =	wrdreg s3  }
0xaf: {  	[dreg:$0x3] =	wrdreg s5  }
0xb0: {  	[dreg:$0x4] =	wrdreg $0xC0  }
0xb1: {  	_ =	task [dreg:s7], $0x5FFFF  }
0xb2: {  	[dreg:$0x1] =	wrdreg $0xFFFFFFFF  }
0xb3: {  	[dreg:$0x0] =	wrdreg $0x60  }
0xb4: {  	[dreg:$0x2] =	wrdreg s24  }
0xb5: {  	[dreg:$0x3] =	wrdreg s16  }
0xb6: {  	[dreg:$0x4] =	wrdreg $0x9  }
0xb7: {  	_ =	task.clear_ibuf [dreg:s7], $0x5FFFF;
	_ =	strace $0x90000046  }
0xb8: {  	s29 =	simm.s32 $0x9;
	_ =	strace $0x80000048  }
0xb9: {  	_ =	swait.ge [sflag:s29], $0x1  }
0xba: {  	[sflag:s29] =	ssyncadd.s32 $0xFFFFFFFF  }
0xbb: {  	_ =	strace $0x90000048  }
0xbc: {  	_ =	sfence  }
0xbd: {  	s30 =	sld [smem:$0x0];
	_ =	sdelay $0x2  }
0xbe: {  	s31 =	sshll.u32 s1, $0xD;
	s1 =	sshrl.u32 s1, $0x2  }
0xbf: {  	s3 =	sand.u32 $0x4000, s31;
	s1 =	sadd.s32 s1, s30  }
0xc0: {  	s0 =	sor.u32 s3, s0;
	s1 =	sshll.u32 s1, $0x11  }
0xc1: {  	s0 =	sor.u32 s1, s0  }
0xc2: {  	s0 =	sadd.s32 $0x8F2B, s0  }
0xc3: {  	[sflag:s0] =	ssyncadd.remote.s32 $0x1  }
0xc4: {  	_ =	sfence.sel $0xFFFF  }
0xc5: {  	[dreg:$0x0] =	wrdreg $0xFFFFFFFF;
	(pc) =	sbr.abs _section_cstart, $3  }
0xc6: {  	[dreg:$0x1] =	wrdreg $0xFFFFFFFF  }
0xc7: {  	_ =	task.clear_ibuf [dreg:s7], $0x2FFFF;
	_ =	strace $0x9FFFFFFF  }
0xc8: {  	(tm) =	ssettm $0x7FFFFFFF  }
0xc9: {  	_ =	shalt  }
tec
execute0_lowered:
.L_overlay_start_1:
0x0: {  	(tag) =	ssettag $0x1  }
0x1: {  	s4 =	rddreg [dreg:$0x0]  }
0x2: {  	s5 =	rddreg [dreg:$0x1]  }
0x3: {  	s1 =	stileid.u32;
	s2 =	srdreg.scid  }
0x4: {  	s0 =	rddreg [dreg:$0x2];
	s11 =	simm.s32 $0x0;
	s3 =	sand.u32 $0x1, s2  }
0x5: {  	s6 =	sshll.u32 s1, $0x1;
	s2 =	simm.s32 $0x0;
	s7 =	smul.u32 $0x32000, s1  }
0x6: {  	s6 =	sor.u32 s3, s6;
	[smem:$0x7FF] =	sst s2;
	s10 =	smul.u32 $0x19000, s3  }
0x7: {  	s8 =	ssub.s32 $0x2, s3;
	s3 =	sadd.s32 $0x499600, s4;
	s6 =	smul.u32 $0x380, s6  }
0x8: {  	_ =	strace $0x80000047;
	s9 =	sshrl.u32 s8, $0x1;
	s7 =	sadd.s32 s7, s4  }
0x9: {  	s8 =	ssub.s32 s8, s9;
	s31 =	sadd.s32 s10, s7;
	s7 =	simm.s32 $0x2  }
0xa: {  	s9 =	simm.s32 $0x1C00;
	s10 =	simm.s32 $0x1;
	s4 =	sadd.s32 s5, s6  }
0xb: {  	s5 =	smax.u32 s8, $0x1;
	s6 =	sadd.s32 $0x11600, s31;
	s8 =	simm.s32 $0x80  }
.LBB2_1:
0xc: {  	[tilespmem:s2], [sflag:$0x2] =	stream.linear.gather [hbm4b:s4+s2], $0x1900, $0x38;
	[tilespmem:$0x5C00] =	vst v63  }
0xd: {  	_ =	swait.ge [sflag:s7], $0x1900  }
0xe: {  	[sflag:s7] =	ssyncset.done $0x0  }
0xf: {  	s12 =	simm.s32 $0x0;
	[sflag:s7] =	ssyncadd.s32 $0xFFFFE700  }
0x10: {  	[tilespmem:s9], [sflag:$0x1] =	stream.indirect.gather [hbm4b:s3+s8], $0x80, s12, s8, $0xb8;
	[tilespmem:$0x5C00] =	vst v63  }
0x11: {  	_ =	swait.ge [sflag:s10], $0x4000  }
0x12: {  	[sflag:s10] =	ssyncset.done $0x0  }
0x13: {  	[sflag:s10] =	ssyncadd.s32 $0xFFFFC000  }
0x14: {  	[hbm4b:s6+s2] =	stream.linear.scatter [tilespmem:s9], [sflag:$0x2], $0x4000, $0x38;
	[tilespmem:$0x5C00] =	vst v63  }
0x15: {  	s13 =	simm.s32 $0x200;
	_ =	swait.ge [sflag:s7], $0x4000  }
0x16: {  	s14 =	simm.s32 $0x400;
	s12 =	sadd.s32 $0x800, s6;
	[sflag:s7] =	ssyncset.done $0x0  }
.LBB2_2:
0x17: {  	s15 =	sshra.s32 s13, $0x2  }
0x18: {  	[sflag:s7] =	ssyncadd.s32 $0xFFFFC000;
	s13 =	smov.u32 s14;
	s16 =	sadd.s32 $0x200, s14  }
0x19: {  	[tilespmem:s9], [sflag:$0x1] =	stream.indirect.gather [hbm4b:s3+s8], $0x80, s15, s8, $0xb8;
	[tilespmem:$0x5C00] =	vst v63  }
0x1a: {  	p0 =	sne.s32 s14, $0x6200;
	_ =	swait.ge [sflag:s10], $0x4000  }
.Ltmp0:
0x1b: {  	[sflag:s10] =	ssyncset.done $0x0;
	(pc) =	sbr.rel @p0 .LBB2_2-.Ltmp0, $4  }
0x1c: {  	[sflag:s10] =	ssyncadd.s32 $0xFFFFC000  }
0x1d: {  	[hbm4b:s12+s2] =	stream.linear.scatter [tilespmem:s9], [sflag:$0x2], $0x4000, $0x38;
	[tilespmem:$0x5C00] =	vst v63  }
0x1e: {  	_ =	swait.ge [sflag:s7], $0x4000  }
0x1f: {  	s14 =	smov.u32 s16;
	s12 =	sadd.s32 $0x800, s12;
	[sflag:s7] =	ssyncset.done $0x0  }
0x20: {  	s13 =	sshra.s32 s13, $0x2;
	[sflag:s7] =	ssyncadd.s32 $0xFFFFC000  }
0x21: {  	[tilespmem:s9], [sflag:$0x1] =	stream.indirect.gather [hbm4b:s3+s8], $0x80, s13, s8, $0xb8;
	[tilespmem:$0x5C00] =	vst v63  }
0x22: {  	s11 =	sadd.s32 $0x1, s11;
	_ =	swait.ge [sflag:s10], $0x4000  }
0x23: {  	p0 =	sne.s32 s11, s5;
	[sflag:s10] =	ssyncset.done $0x0  }
.Ltmp1:
0x24: {  	[sflag:s10] =	ssyncadd.s32 $0xFFFFC000;
	(pc) =	sbr.rel @p0 .LBB2_1-.Ltmp1, $4  }
0x25: {  	[hbm4b:s12+s2] =	stream.linear.scatter [tilespmem:s9], [sflag:$0x2], $0x4000, $0x38;
	[tilespmem:$0x5C00] =	vst v63  }
0x26: {  	_ =	swait.ge [sflag:s7], $0x4000  }
0x27: {  	[sflag:s7] =	ssyncset.done $0x0  }
0x28: {  	[sflag:s7] =	ssyncadd.s32 $0xFFFFC000  }
0x29: {  	_ =	sfence.sel $0x180000  }
0x2a: {  	[bflag:$0x0] =	sbarrier.arrive $0xFFFF  }
0x2b: {  	p0 =	sne.s32 s1, $0x0;
	_ =	strace $0x90000047  }
0x2c: {  	s0 =	sadd.s32 @!p0 $0x100000, s0;
	[bflag:$0x2] =	sbarrier.arrive $0xFFFF  }
0x2d: {  	[sflag:s0] =	ssyncadd.tile.s32 @!p0 $0x1;
	_ =	shalt  }
.Lfunc_end2:
_tile_overlayer_lowered:
.L_overlay_start_2:
0x2e: {  	(tag) =	ssettag $0x2  }
0x2f: {  	s0 =	rddreg [dreg:$0x0];
	s2 =	stileid.u32  }
0x30: {  	s1 =	rddreg [dreg:$0x1];
	p0 =	sne.s32 s2, $0x0  }
0x31: {  	s3 =	rddreg [dreg:$0x2];
	[bflag:$0x3] =	sbarrier.arrive $0xFFFF;
	s2 =	simm.s32 @!p0 $0x1C02  }
0x32: {  	[timem:s3], [sflag:s2] =	dma.local @!p0 [hbm:s0], s1  }
0x33: {  	s0 =	simm.s32 @!p0 $0x2  }
0x34: {  	_ =	swait.ge @!p0 [sflag:s0], s1  }
0x35: {  	s1 =	ssub.s32 @!p0 $0x0, s1;
	[sflag:s0] =	ssyncset.done @!p0 $0x0  }
0x36: {  	[sflag:s0] =	ssyncadd.s32 @!p0 s1  }
0x37: {  	[bflag:$0x3] =	sbarrier.arrive $0xFFFF  }
0x38: {  	_ =	shalt  }

</sc_bundles>
